<compile_context>
chip_gen: v7x
topology: tpu7x:2x2x1
jax: 0.10.2.dev20260603
libtpu: 0.0.44.dev20260713+nightly
codegen_flags: <defaults>
</compile_context>

<pallas_src>
import functools

import jax
import jax.numpy as jnp
from jax import lax
from jax.experimental import pallas as pl
from jax.experimental.pallas import tpu as pltpu
from jax.experimental.pallas import tpu_sc as plsc

BLK = 512
NW = 32


def _group_selector(n_groups, in_dim, dtype):
    gsz = in_dim // n_groups
    col_g = lax.broadcasted_iota(jnp.int32, (n_groups, in_dim), 1) // gsz
    row_g = lax.broadcasted_iota(jnp.int32, (n_groups, in_dim), 0)
    return (col_g == row_g).astype(dtype)


def _dequant_to(q_ref, z_ref, s_ref, w_ref):
    O, I = w_ref.shape
    n_g = s_ref.shape[-1]
    sel = _group_selector(n_g, I, jnp.bfloat16)
    s = s_ref[0]
    zs = z_ref[0].astype(jnp.float32) * s
    dims = (((1,), (0,)), ((), ()))
    s_full = lax.dot_general(s.astype(jnp.bfloat16), sel, dims,
                             preferred_element_type=jnp.float32)
    zs_full = lax.dot_general(zs.astype(jnp.bfloat16), sel, dims,
                              preferred_element_type=jnp.float32)
    w = q_ref[0].astype(jnp.float32) * s_full - zs_full
    w_ref[...] = w.astype(jnp.bfloat16)



def _plan_body(x_ref, rw_ref, pos0_ref, pos1_ref, w0_ref, w1_ref,
               bexp_ref, nused_ref, *, nb):
    E, T = rw_ref.shape[0], x_ref.shape[0]
    logits = lax.dot_general(rw_ref[...], x_ref[...],
                             (((1,), (1,)), ((), ())),
                             preferred_element_type=jnp.float32)
    s = jax.nn.sigmoid(logits)
    riota = lax.broadcasted_iota(jnp.int32, s.shape, 0)
    i1 = jnp.argmax(s, axis=0)
    m1 = jnp.max(s, axis=0)
    oh1 = riota == i1[None, :]
    s2 = jnp.where(oh1, -1.0, s)
    i2 = jnp.argmax(s2, axis=0)
    m2 = jnp.max(s2, axis=0)
    oh2 = riota == i2[None, :]
    denom = m1 + m2
    w0_ref[...] = (m1 / denom)[None, :]
    w1_ref[...] = (m2 / denom)[None, :]

    r_t = lax.broadcasted_iota(jnp.int32, (T, T), 0)
    c_t = lax.broadcasted_iota(jnp.int32, (T, T), 1)
    tri = (r_t <= c_t).astype(jnp.bfloat16)
    dims = (((1,), (0,)), ((), ()))
    cum1 = lax.dot_general(oh1.astype(jnp.bfloat16), tri, dims,
                           preferred_element_type=jnp.float32)
    cum2 = lax.dot_general(oh2.astype(jnp.bfloat16), tri, dims,
                           preferred_element_type=jnp.float32)
    cnt1 = cum1[:, T - 1:T]
    counts = cnt1 + cum2[:, T - 1:T]
    padded = jnp.floor((counts + (BLK - 1)) * (1.0 / BLK)) * BLK
    r_e = lax.broadcasted_iota(jnp.int32, (E, E), 0)
    c_e = lax.broadcasted_iota(jnp.int32, (E, E), 1)
    sl = (c_e < r_e).astype(jnp.float32)
    seg_base = lax.dot_general(sl, padded, dims,
                               precision=lax.Precision.HIGHEST,
                               preferred_element_type=jnp.float32)
    pos0 = jnp.sum(jnp.where(oh1, seg_base + cum1 - 1.0, 0.0), axis=0)
    pos1 = jnp.sum(jnp.where(oh2, seg_base + cnt1 + cum2 - 1.0, 0.0), axis=0)
    pos0_ref[...] = pos0[None, :].astype(jnp.int32)
    pos1_ref[...] = pos1[None, :].astype(jnp.int32)

    bstart = (lax.broadcasted_iota(jnp.int32, (E, nb), 1) * BLK).astype(jnp.float32)
    bexp = jnp.sum((seg_base <= bstart).astype(jnp.int32), axis=0) - 1
    bexp_ref[...] = bexp[None, :]
    total = seg_base[E - 1:E, :] + padded[E - 1:E, :]
    nused_ref[...] = (total * (1.0 / BLK)).astype(jnp.int32)



def _sc_dispatch_body(pos0_h, pos1_h, x_h, xs_h, p_v, rows_v, sem0, sem1,
                      *, T, P):
    wid = lax.axis_index("s") * 2 + lax.axis_index("c")
    tokens_per = T // NW
    tbase = wid * tokens_per
    pltpu.sync_copy(pos0_h.at[pl.ds(tbase, tokens_per)], p_v.at[0])
    pltpu.sync_copy(pos1_h.at[pl.ds(tbase, tokens_per)], p_v.at[1])
    pltpu.sync_copy(x_h.at[pl.ds(tbase, tokens_per)], rows_v)
    c0 = pltpu.async_copy(rows_v, xs_h.at[p_v.at[0]], sem0)
    c1 = pltpu.async_copy(rows_v, xs_h.at[p_v.at[1]], sem1)
    c0.wait()
    c1.wait()



def _moe_routed_body(bexp_ref, nused_ref, xs_ref,
                     gq, gz, gs, uq, uz, us, dq, dz, ds,
                     ys_ref, wg_s, wu_s, wd_s):
    b = pl.program_id(0)
    e = bexp_ref[b]
    prev = bexp_ref[jnp.maximum(b - 1, 0)]

    @pl.when((b == 0) | (e != prev))
    def _():
        _dequant_to(gq, gz, gs, wg_s)
        _dequant_to(uq, uz, us, wu_s)
        _dequant_to(dq, dz, ds, wd_s)

    @pl.when(b < nused_ref[0])
    def _():
        xb = xs_ref[...].astype(jnp.bfloat16)
        dims = (((1,), (1,)), ((), ()))
        g = lax.dot_general(xb, wg_s[...], dims, preferred_element_type=jnp.float32)
        u = lax.dot_general(xb, wu_s[...], dims, preferred_element_type=jnp.float32)
        h = (g * jax.nn.sigmoid(g) * u).astype(jnp.bfloat16)
        ys_ref[...] = lax.dot_general(h, wd_s[...], dims,
                                      preferred_element_type=jnp.float32)



def _sc_collect_body(pos0_h, pos1_h, ys_h, y0_h, y1_h,
                     p_v, b0, b1, sem0, sem1, *, T, D):
    wid = lax.axis_index("s") * 2 + lax.axis_index("c")
    tokens_per = T // NW
    tbase = wid * tokens_per
    pltpu.sync_copy(pos0_h.at[pl.ds(tbase, tokens_per)], p_v.at[0])
    pltpu.sync_copy(pos1_h.at[pl.ds(tbase, tokens_per)], p_v.at[1])
    rows = b0.shape[0]
    for c in range(tokens_per // rows):
        c0 = pltpu.async_copy(ys_h.at[p_v.at[0, pl.ds(c * rows, rows)]], b0, sem0)
        c1 = pltpu.async_copy(ys_h.at[p_v.at[1, pl.ds(c * rows, rows)]], b1, sem1)
        c0.wait()
        pltpu.sync_copy(b0, y0_h.at[pl.ds(tbase + c * rows, rows)])
        c1.wait()
        pltpu.sync_copy(b1, y1_h.at[pl.ds(tbase + c * rows, rows)])



def _shared_body(xb_ref, y0_ref, y1_ref, w0_ref, w1_ref,
                 sg_ref, su_ref, sd_ref, out_ref):
    xb = xb_ref[...]
    dims = (((1,), (1,)), ((), ()))
    a = lax.dot_general(xb, sg_ref[...], dims, preferred_element_type=jnp.float32)
    b = lax.dot_general(xb, su_ref[...], dims, preferred_element_type=jnp.float32)
    h = (a * jax.nn.sigmoid(a) * b).astype(jnp.bfloat16)
    shared = lax.dot_general(h, sd_ref[...], dims,
                             preferred_element_type=jnp.float32)
    out_ref[...] = (shared + y0_ref[...] * w0_ref[...]
                    + y1_ref[...] * w1_ref[...])



def kernel(hidden_states, router_w, gate_q, gate_z, gate_s, up_q, up_z, up_s,
           down_q, down_z, down_s, shared_gate_w, shared_up_w, shared_down_w):
    B, S, D = hidden_states.shape
    T = B * S
    E, FF, _ = gate_q.shape
    n_g_in = gate_s.shape[-1]
    n_g_ff = down_s.shape[-1]
    SFF = shared_gate_w.shape[0]
    NB = (2 * T) // BLK + E
    P = NB * BLK

    x = hidden_states.reshape(T, D)
    xb = x.astype(jnp.bfloat16)
    gq8 = gate_q.astype(jnp.int8)
    gz8 = gate_z.astype(jnp.int8)
    uq8 = up_q.astype(jnp.int8)
    uz8 = up_z.astype(jnp.int8)
    dq8 = down_q.astype(jnp.int8)
    dz8 = down_z.astype(jnp.int8)
    sgb = shared_gate_w.astype(jnp.bfloat16)
    sub = shared_up_w.astype(jnp.bfloat16)
    sdb = shared_down_w.astype(jnp.bfloat16)

    pos0, pos1, w0, w1, bexp, nused = pl.pallas_call(
        functools.partial(_plan_body, nb=NB),
        grid=(1,),
        in_specs=[
            pl.BlockSpec((T, D), lambda i: (0, 0)),
            pl.BlockSpec((E, D), lambda i: (0, 0)),
        ],
        out_specs=[
            pl.BlockSpec((1, T), lambda i: (0, 0)),
            pl.BlockSpec((1, T), lambda i: (0, 0)),
            pl.BlockSpec((1, T), lambda i: (0, 0)),
            pl.BlockSpec((1, T), lambda i: (0, 0)),
            pl.BlockSpec((1, NB), lambda i: (0, 0)),
            pl.BlockSpec((1, 1), lambda i: (0, 0)),
        ],
        out_shape=[
            jax.ShapeDtypeStruct((1, T), jnp.int32),
            jax.ShapeDtypeStruct((1, T), jnp.int32),
            jax.ShapeDtypeStruct((1, T), jnp.float32),
            jax.ShapeDtypeStruct((1, T), jnp.float32),
            jax.ShapeDtypeStruct((1, NB), jnp.int32),
            jax.ShapeDtypeStruct((1, 1), jnp.int32),
        ],
    )(x, router_w)
    pos0f = pos0.reshape(T)
    pos1f = pos1.reshape(T)
    w0f = w0.reshape(T)
    w1f = w1.reshape(T)

    mesh = plsc.VectorSubcoreMesh(core_axis_name="c", subcore_axis_name="s")
    xs = pl.kernel(
        functools.partial(_sc_dispatch_body, T=T, P=P),
        mesh=mesh,
        out_type=jax.ShapeDtypeStruct((P, D), jnp.float32),
        scratch_types=[
            pltpu.VMEM((2, T // NW), jnp.int32),
            pltpu.VMEM((T // NW, D), jnp.float32),
            pltpu.SemaphoreType.DMA,
            pltpu.SemaphoreType.DMA,
        ],
    )(pos0f, pos1f, x)

    w_spec = lambda shape: pl.BlockSpec(
        (1,) + shape, lambda b, be, nu: (be[b], 0, 0))
    ys = pl.pallas_call(
        _moe_routed_body,
        grid_spec=pltpu.PrefetchScalarGridSpec(
            num_scalar_prefetch=2,
            grid=(NB,),
            in_specs=[
                pl.BlockSpec((BLK, D), lambda b, be, nu: (b, 0)),
                w_spec((FF, D)), w_spec((FF, n_g_in)), w_spec((FF, n_g_in)),
                w_spec((FF, D)), w_spec((FF, n_g_in)), w_spec((FF, n_g_in)),
                w_spec((D, FF)), w_spec((D, n_g_ff)), w_spec((D, n_g_ff)),
            ],
            out_specs=pl.BlockSpec((BLK, D), lambda b, be, nu: (b, 0)),
            scratch_shapes=[
                pltpu.VMEM((FF, D), jnp.bfloat16),
                pltpu.VMEM((FF, D), jnp.bfloat16),
                pltpu.VMEM((D, FF), jnp.bfloat16),
            ],
        ),
        out_shape=jax.ShapeDtypeStruct((P, D), jnp.float32),
    )(bexp.reshape(NB), nused.reshape(1), xs,
      gq8, gz8, gate_s, uq8, uz8, up_s, dq8, dz8, down_s)

    y0, y1 = pl.kernel(
        functools.partial(_sc_collect_body, T=T, D=D),
        mesh=mesh,
        out_type=[jax.ShapeDtypeStruct((T, D), jnp.float32),
                  jax.ShapeDtypeStruct((T, D), jnp.float32)],
        scratch_types=[
            pltpu.VMEM((2, T // NW), jnp.int32),
            pltpu.VMEM((T // NW // 2, D), jnp.float32),
            pltpu.VMEM((T // NW // 2, D), jnp.float32),
            pltpu.SemaphoreType.DMA,
            pltpu.SemaphoreType.DMA,
        ],
    )(pos0f, pos1f, ys)

    blk_s = min(T, 256)
    out = pl.pallas_call(
        _shared_body,
        grid=(T // blk_s,),
        in_specs=[
            pl.BlockSpec((blk_s, D), lambda m: (m, 0)),
            pl.BlockSpec((blk_s, D), lambda m: (m, 0)),
            pl.BlockSpec((blk_s, D), lambda m: (m, 0)),
            pl.BlockSpec((blk_s, 1), lambda m: (m, 0)),
            pl.BlockSpec((blk_s, 1), lambda m: (m, 0)),
            pl.BlockSpec((SFF, D), lambda m: (0, 0)),
            pl.BlockSpec((SFF, D), lambda m: (0, 0)),
            pl.BlockSpec((D, SFF), lambda m: (0, 0)),
        ],
        out_specs=pl.BlockSpec((blk_s, D), lambda m: (m, 0)),
        out_shape=jax.ShapeDtypeStruct((T, D), jnp.float32),
    )(xb, y0, y1, w0f.reshape(T, 1), w1f.reshape(T, 1), sgb, sub, sdb)

    return out.reshape(B, S, D)

# --- scband reference (transcript-rebuilt; emitter-appended) ---
"""Pipeline reference for scband-qeff-deepseek-v3-mo-e-34643206210149 (READ-ONLY COPY).

The authoritative reference and input builder live on the scoring server;
editing this copy changes nothing except your own understanding.
"""

import jax, jax.numpy as jnp
import numpy as np

E = 8
TOP_K = 2
D_MODEL = 1024
D_FF = 1024
SHARED_FF = 2048
GROUP_SIZE = 128
QMAX = 16  # 4-bit


def setup_inputs(seed: int = 0) -> dict:
    key = jax.random.key(seed)
    ks = jax.random.split(key, 16)
    hidden_states = jax.random.normal(ks[0], (1, 2048, D_MODEL), dtype=jnp.float32)
    router_w = jax.random.normal(ks[1], (E, D_MODEL), dtype=jnp.float32) * 0.02
    # GPTQ-style quantized expert weights: int codes in [0, 16), per-group scales and zeros
    n_g_in = D_MODEL // GROUP_SIZE   # groups along input dim for gate/up
    n_g_ff = D_FF // GROUP_SIZE      # groups along input dim for down
    gate_q = jax.random.randint(ks[2], (E, D_FF, D_MODEL), 0, QMAX, dtype=jnp.int32)
    gate_z = jax.random.randint(ks[3], (E, D_FF, n_g_in), 0, QMAX, dtype=jnp.int32)
    gate_s = jax.random.uniform(ks[4], (E, D_FF, n_g_in), dtype=jnp.float32) * 0.01 + 0.001
    up_q = jax.random.randint(ks[5], (E, D_FF, D_MODEL), 0, QMAX, dtype=jnp.int32)
    up_z = jax.random.randint(ks[6], (E, D_FF, n_g_in), 0, QMAX, dtype=jnp.int32)
    up_s = jax.random.uniform(ks[7], (E, D_FF, n_g_in), dtype=jnp.float32) * 0.01 + 0.001
    down_q = jax.random.randint(ks[8], (E, D_MODEL, D_FF), 0, QMAX, dtype=jnp.int32)
    down_z = jax.random.randint(ks[9], (E, D_MODEL, n_g_ff), 0, QMAX, dtype=jnp.int32)
    down_s = jax.random.uniform(ks[10], (E, D_MODEL, n_g_ff), dtype=jnp.float32) * 0.01 + 0.001
    shared_gate_w = jax.random.normal(ks[11], (SHARED_FF, D_MODEL), dtype=jnp.float32) * 0.02
    shared_up_w = jax.random.normal(ks[12], (SHARED_FF, D_MODEL), dtype=jnp.float32) * 0.02
    shared_down_w = jax.random.normal(ks[13], (D_MODEL, SHARED_FF), dtype=jnp.float32) * 0.02
    return {
        "hidden_states": hidden_states,
        "router_w": router_w,
        "gate_q": gate_q, "gate_z": gate_z, "gate_s": gate_s,
        "up_q": up_q, "up_z": up_z, "up_s": up_s,
        "down_q": down_q, "down_z": down_z, "down_s": down_s,
        "shared_gate_w": shared_gate_w, "shared_up_w": shared_up_w, "shared_down_w": shared_down_w,
    }


def _dequant(q, z, s):
    # q: [E, out, in] int codes; z, s: [E, out, in//GROUP_SIZE]
    Eo, O, I = q.shape
    g = GROUP_SIZE
    qf = q.astype(jnp.float32).reshape(Eo, O, I // g, g)
    zf = z.astype(jnp.float32)
    w = (qf - zf[..., None]) * s[..., None]
    return w.reshape(Eo, O, I)


def reference(hidden_states, router_w, gate_q, gate_z, gate_s, up_q, up_z, up_s,
              down_q, down_z, down_s, shared_gate_w, shared_up_w, shared_down_w):
    B, S, D = hidden_states.shape
    x = hidden_states.reshape(-1, D)
    # DeepseekV3 gate: sigmoid scoring + top-k + renormalization
    logits = x @ router_w.T                      # [T, E]
    scores = jax.nn.sigmoid(logits)
    topk_w, topk_idx = jax.lax.top_k(scores, TOP_K)
    topk_w = topk_w / jnp.sum(topk_w, axis=-1, keepdims=True)
    # dequantize expert weights (GPTQ math: w = (q - z) * scale per group)
    Wg = _dequant(gate_q, gate_z, gate_s)        # [E, D_FF, D]
    Wu = _dequant(up_q, up_z, up_s)              # [E, D_FF, D]
    Wd = _dequant(down_q, down_z, down_s)        # [E, D, D_FF]
    out = jnp.zeros_like(x)
    for e in range(E):
        h = jax.nn.silu(x @ Wg[e].T) * (x @ Wu[e].T)
        y = h @ Wd[e].T
        w_e = jnp.sum(jnp.where(topk_idx == e, topk_w, 0.0), axis=-1)  # [T]
        out = out + y * w_e[:, None]
    # shared experts branch
    shared = (jax.nn.silu(x @ shared_gate_w.T) * (x @ shared_up_w.T)) @ shared_down_w.T
    return (out + shared).reshape(B, S, D)

if __name__ == "__main__":
    import jax
    _d = setup_inputs()
    print(jax.jit(kernel)(*tuple(_d.values())))

</pallas_src>

<mosaic_0001>
#map = affine_map<(d0, d1) -> (0)>
#map1 = affine_map<(d0, d1) -> (0, 0)>
module attributes {stable_mosaic.version = 14 : i64} {
  func.func @_sc_dispatch_body(%arg0: i32, %arg1: i32, %arg2: memref<2048xi32, #tpu.memory_space<hbm>>, %arg3: memref<2048xi32, #tpu.memory_space<hbm>>, %arg4: memref<2048x1024xf32, #tpu.memory_space<hbm>>, %arg5: memref<8192x1024xf32, #tpu.memory_space<hbm>>, %arg6: memref<2x64xi32, #tpu.memory_space<vmem>>, %arg7: memref<64x1024xf32, #tpu.memory_space<vmem>>, %arg8: memref<!tpu.dma_semaphore, #tpu.memory_space<semaphore_mem>>, %arg9: memref<!tpu.dma_semaphore, #tpu.memory_space<semaphore_mem>>) attributes {dimension_semantics = [#tpu.dimension_semantics<core_parallel>, #tpu.dimension_semantics<subcore_parallel>], iteration_bounds = array<i64: 2, 16>, scalar_prefetch = 0 : i64, scratch_operands = 4 : i64, tpu.core_type = #tpu.core_type<sc_vector_subcore>, window_params = [{transform_indices = #map}, {transform_indices = #map}, {transform_indices = #map1}, {transform_indices = #map1}]} {
    %mul3A = arith.constant 2 : i32
    %mul3A_0 = arith.muli %arg1, %mul3A : i32
    %add3A = arith.addi %mul3A_0, %arg0 : i32
    %mul3A_1 = arith.constant 64 : i32
    %mul3A_2 = arith.muli %add3A, %mul3A_1 : i32
    %run_scoped3A = arith.constant 0 : i32
    "tpu.region"() ({
      %run_scoped3A_30 = tpu.sem_alloc : memref<!tpu.dma_semaphore, #tpu.memory_space<semaphore_mem>>
      %dma_start3A_31 = arith.constant 0 : i32
      %dma_start3A_32 = tpu.memref_slice %arg6[%run_scoped3A, %dma_start3A_31] : memref<2x64xi32, #tpu.memory_space<vmem>> -> memref<1x64xi32, #tpu.memory_space<vmem>>
      %dma_start3A_33 = tpu.memref_squeeze %dma_start3A_32 : memref<1x64xi32, #tpu.memory_space<vmem>> -> memref<64xi32, #tpu.memory_space<vmem>>
      %dma_start3A_34 = tpu.memref_slice %arg2[%mul3A_2] : memref<2048xi32, #tpu.memory_space<hbm>> -> memref<64xi32, #tpu.memory_space<hbm>>
      %dma_start3A_35 = arith.constant 0 : i32
      %dma_start3A_36 = tpu.memref_slice %arg6[%run_scoped3A, %dma_start3A_35] : memref<2x64xi32, #tpu.memory_space<vmem>> -> memref<1x64xi32, #tpu.memory_space<vmem>>
      %dma_start3A_37 = tpu.memref_squeeze %dma_start3A_36 : memref<1x64xi32, #tpu.memory_space<vmem>> -> memref<64xi32, #tpu.memory_space<vmem>>
      %dma_start3A_38 = tpu.memref_slice %arg2[%mul3A_2] : memref<2048xi32, #tpu.memory_space<hbm>> -> memref<64xi32, #tpu.memory_space<hbm>>
      tpu.enqueue_dma source(%dma_start3A_38 : memref<64xi32, #tpu.memory_space<hbm>>) target(%dma_start3A_37 : memref<64xi32, #tpu.memory_space<vmem>>) target_semaphore(%run_scoped3A_30 : memref<!tpu.dma_semaphore, #tpu.memory_space<semaphore_mem>>)
      %dma_wait3A_39 = arith.constant 0 : i32
      %dma_wait3A_40 = tpu.memref_slice %arg6[%run_scoped3A, %dma_wait3A_39] : memref<2x64xi32, #tpu.memory_space<vmem>> -> memref<1x64xi32, #tpu.memory_space<vmem>>
      %dma_wait3A_41 = tpu.memref_squeeze %dma_wait3A_40 : memref<1x64xi32, #tpu.memory_space<vmem>> -> memref<64xi32, #tpu.memory_space<vmem>>
      %dma_wait3A_42 = tpu.memref_slice %arg2[%mul3A_2] : memref<2048xi32, #tpu.memory_space<hbm>> -> memref<64xi32, #tpu.memory_space<hbm>>
      %dma_wait3A_43 = arith.constant 0 : i32
      %dma_wait3A_44 = tpu.memref_slice %arg6[%run_scoped3A, %dma_wait3A_43] : memref<2x64xi32, #tpu.memory_space<vmem>> -> memref<1x64xi32, #tpu.memory_space<vmem>>
      %dma_wait3A_45 = tpu.memref_squeeze %dma_wait3A_44 : memref<1x64xi32, #tpu.memory_space<vmem>> -> memref<64xi32, #tpu.memory_space<vmem>>
      %dma_wait3A_46 = tpu.memref_slice %arg2[%mul3A_2] : memref<2048xi32, #tpu.memory_space<hbm>> -> memref<64xi32, #tpu.memory_space<hbm>>
      tpu.wait_dma2 semaphore(%run_scoped3A_30 : memref<!tpu.dma_semaphore, #tpu.memory_space<semaphore_mem>>) src(%dma_wait3A_46 : memref<64xi32, #tpu.memory_space<hbm>>) dst(%dma_wait3A_45 : memref<64xi32, #tpu.memory_space<vmem>>)
      tpu.yield
    }) : () -> ()
    %run_scoped3A_3 = arith.constant 1 : i32
    "tpu.region"() ({
      %run_scoped3A_30 = tpu.sem_alloc : memref<!tpu.dma_semaphore, #tpu.memory_space<semaphore_mem>>
      %dma_start3A_31 = arith.constant 0 : i32
      %dma_start3A_32 = tpu.memref_slice %arg6[%run_scoped3A_3, %dma_start3A_31] : memref<2x64xi32, #tpu.memory_space<vmem>> -> memref<1x64xi32, #tpu.memory_space<vmem>>
      %dma_start3A_33 = tpu.memref_squeeze %dma_start3A_32 : memref<1x64xi32, #tpu.memory_space<vmem>> -> memref<64xi32, #tpu.memory_space<vmem>>
      %dma_start3A_34 = tpu.memref_slice %arg3[%mul3A_2] : memref<2048xi32, #tpu.memory_space<hbm>> -> memref<64xi32, #tpu.memory_space<hbm>>
      %dma_start3A_35 = arith.constant 0 : i32
      %dma_start3A_36 = tpu.memref_slice %arg6[%run_scoped3A_3, %dma_start3A_35] : memref<2x64xi32, #tpu.memory_space<vmem>> -> memref<1x64xi32, #tpu.memory_space<vmem>>
      %dma_start3A_37 = tpu.memref_squeeze %dma_start3A_36 : memref<1x64xi32, #tpu.memory_space<vmem>> -> memref<64xi32, #tpu.memory_space<vmem>>
      %dma_start3A_38 = tpu.memref_slice %arg3[%mul3A_2] : memref<2048xi32, #tpu.memory_space<hbm>> -> memref<64xi32, #tpu.memory_space<hbm>>
      tpu.enqueue_dma source(%dma_start3A_38 : memref<64xi32, #tpu.memory_space<hbm>>) target(%dma_start3A_37 : memref<64xi32, #tpu.memory_space<vmem>>) target_semaphore(%run_scoped3A_30 : memref<!tpu.dma_semaphore, #tpu.memory_space<semaphore_mem>>)
      %dma_wait3A_39 = arith.constant 0 : i32
      %dma_wait3A_40 = tpu.memref_slice %arg6[%run_scoped3A_3, %dma_wait3A_39] : memref<2x64xi32, #tpu.memory_space<vmem>> -> memref<1x64xi32, #tpu.memory_space<vmem>>
      %dma_wait3A_41 = tpu.memref_squeeze %dma_wait3A_40 : memref<1x64xi32, #tpu.memory_space<vmem>> -> memref<64xi32, #tpu.memory_space<vmem>>
      %dma_wait3A_42 = tpu.memref_slice %arg3[%mul3A_2] : memref<2048xi32, #tpu.memory_space<hbm>> -> memref<64xi32, #tpu.memory_space<hbm>>
      %dma_wait3A_43 = arith.constant 0 : i32
      %dma_wait3A_44 = tpu.memref_slice %arg6[%run_scoped3A_3, %dma_wait3A_43] : memref<2x64xi32, #tpu.memory_space<vmem>> -> memref<1x64xi32, #tpu.memory_space<vmem>>
      %dma_wait3A_45 = tpu.memref_squeeze %dma_wait3A_44 : memref<1x64xi32, #tpu.memory_space<vmem>> -> memref<64xi32, #tpu.memory_space<vmem>>
      %dma_wait3A_46 = tpu.memref_slice %arg3[%mul3A_2] : memref<2048xi32, #tpu.memory_space<hbm>> -> memref<64xi32, #tpu.memory_space<hbm>>
      tpu.wait_dma2 semaphore(%run_scoped3A_30 : memref<!tpu.dma_semaphore, #tpu.memory_space<semaphore_mem>>) src(%dma_wait3A_46 : memref<64xi32, #tpu.memory_space<hbm>>) dst(%dma_wait3A_45 : memref<64xi32, #tpu.memory_space<vmem>>)
      tpu.yield
    }) : () -> ()
    "tpu.region"() ({
      %run_scoped3A_30 = tpu.sem_alloc : memref<!tpu.dma_semaphore, #tpu.memory_space<semaphore_mem>>
      %dma_start3A_31 = arith.constant 0 : i32
      %dma_start3A_32 = tpu.memref_slice %arg4[%mul3A_2, %dma_start3A_31] : memref<2048x1024xf32, #tpu.memory_space<hbm>> -> memref<64x1024xf32, #tpu.memory_space<hbm>>
      %dma_start3A_33 = arith.constant 0 : i32
      %dma_start3A_34 = tpu.memref_slice %arg4[%mul3A_2, %dma_start3A_33] : memref<2048x1024xf32, #tpu.memory_space<hbm>> -> memref<64x1024xf32, #tpu.memory_space<hbm>>
      tpu.enqueue_dma source(%dma_start3A_34 : memref<64x1024xf32, #tpu.memory_space<hbm>>) target(%arg7 : memref<64x1024xf32, #tpu.memory_space<vmem>>) target_semaphore(%run_scoped3A_30 : memref<!tpu.dma_semaphore, #tpu.memory_space<semaphore_mem>>)
      %dma_wait3A_35 = arith.constant 0 : i32
      %dma_wait3A_36 = tpu.memref_slice %arg4[%mul3A_2, %dma_wait3A_35] : memref<2048x1024xf32, #tpu.memory_space<hbm>> -> memref<64x1024xf32, #tpu.memory_space<hbm>>
      %dma_wait3A_37 = arith.constant 0 : i32
      %dma_wait3A_38 = tpu.memref_slice %arg4[%mul3A_2, %dma_wait3A_37] : memref<2048x1024xf32, #tpu.memory_space<hbm>> -> memref<64x1024xf32, #tpu.memory_space<hbm>>
      tpu.wait_dma2 semaphore(%run_scoped3A_30 : memref<!tpu.dma_semaphore, #tpu.memory_space<semaphore_mem>>) src(%dma_wait3A_38 : memref<64x1024xf32, #tpu.memory_space<hbm>>) dst(%arg7 : memref<64x1024xf32, #tpu.memory_space<vmem>>)
      tpu.yield
    }) : () -> ()
    %dma_start3A = arith.constant 0 : i32
    %dma_start3A_4 = arith.constant 0 : i32
    %dma_start3A_5 = tpu.memref_slice %arg6[%dma_start3A, %dma_start3A_4] : memref<2x64xi32, #tpu.memory_space<vmem>> -> memref<1x64xi32, #tpu.memory_space<vmem>>
    %dma_start3A_6 = tpu.memref_squeeze %dma_start3A_5 : memref<1x64xi32, #tpu.memory_space<vmem>> -> memref<64xi32, #tpu.memory_space<vmem>>
    %dma_start3A_7 = arith.constant 0 : i32
    %dma_start3A_8 = arith.constant 0 : i32
    %dma_start3A_9 = tpu.memref_slice %arg5[%dma_start3A_7, %dma_start3A_8] : memref<8192x1024xf32, #tpu.memory_space<hbm>> -> memref<8192x1024xf32, #tpu.memory_space<hbm>>
    tpu.enqueue_indirect_dma source(%arg7 : memref<64x1024xf32, #tpu.memory_space<vmem>>) target(%dma_start3A_9 : memref<8192x1024xf32, #tpu.memory_space<hbm>>) offsets(%dma_start3A_6 : memref<64xi32, #tpu.memory_space<vmem>>) semaphore(%arg8 : memref<!tpu.dma_semaphore, #tpu.memory_space<semaphore_mem>>)
    %dma_start3A_10 = arith.constant 1 : i32
    %dma_start3A_11 = arith.constant 0 : i32
    %dma_start3A_12 = tpu.memref_slice %arg6[%dma_start3A_10, %dma_start3A_11] : memref<2x64xi32, #tpu.memory_space<vmem>> -> memref<1x64xi32, #tpu.memory_space<vmem>>
    %dma_start3A_13 = tpu.memref_squeeze %dma_start3A_12 : memref<1x64xi32, #tpu.memory_space<vmem>> -> memref<64xi32, #tpu.memory_space<vmem>>
    %dma_start3A_14 = arith.constant 0 : i32
    %dma_start3A_15 = arith.constant 0 : i32
    %dma_start3A_16 = tpu.memref_slice %arg5[%dma_start3A_14, %dma_start3A_15] : memref<8192x1024xf32, #tpu.memory_space<hbm>> -> memref<8192x1024xf32, #tpu.memory_space<hbm>>
    tpu.enqueue_indirect_dma source(%arg7 : memref<64x1024xf32, #tpu.memory_space<vmem>>) target(%dma_start3A_16 : memref<8192x1024xf32, #tpu.memory_space<hbm>>) offsets(%dma_start3A_13 : memref<64xi32, #tpu.memory_space<vmem>>) semaphore(%arg9 : memref<!tpu.dma_semaphore, #tpu.memory_space<semaphore_mem>>)
    %dma_wait3A = arith.constant 0 : i32
    %dma_wait3A_17 = arith.constant 0 : i32
    %dma_wait3A_18 = tpu.memref_slice %arg6[%dma_wait3A, %dma_wait3A_17] : memref<2x64xi32, #tpu.memory_space<vmem>> -> memref<1x64xi32, #tpu.memory_space<vmem>>
    %dma_wait3A_19 = tpu.memref_squeeze %dma_wait3A_18 : memref<1x64xi32, #tpu.memory_space<vmem>> -> memref<64xi32, #tpu.memory_space<vmem>>
    %dma_wait3A_20 = arith.constant 0 : i32
    %dma_wait3A_21 = arith.constant 0 : i32
    %dma_wait3A_22 = tpu.memref_slice %arg5[%dma_wait3A_20, %dma_wait3A_21] : memref<8192x1024xf32, #tpu.memory_space<hbm>> -> memref<8192x1024xf32, #tpu.memory_space<hbm>>
    tpu.wait_indirect_dma semaphore(%arg8 : memref<!tpu.dma_semaphore, #tpu.memory_space<semaphore_mem>>) src(%arg7 : memref<64x1024xf32, #tpu.memory_space<vmem>>) dst(%dma_wait3A_22 : memref<8192x1024xf32, #tpu.memory_space<hbm>>)
    %dma_wait3A_23 = arith.constant 1 : i32
    %dma_wait3A_24 = arith.constant 0 : i32
    %dma_wait3A_25 = tpu.memref_slice %arg6[%dma_wait3A_23, %dma_wait3A_24] : memref<2x64xi32, #tpu.memory_space<vmem>> -> memref<1x64xi32, #tpu.memory_space<vmem>>
    %dma_wait3A_26 = tpu.memref_squeeze %dma_wait3A_25 : memref<1x64xi32, #tpu.memory_space<vmem>> -> memref<64xi32, #tpu.memory_space<vmem>>
    %dma_wait3A_27 = arith.constant 0 : i32
    %dma_wait3A_28 = arith.constant 0 : i32
    %dma_wait3A_29 = tpu.memref_slice %arg5[%dma_wait3A_27, %dma_wait3A_28] : memref<8192x1024xf32, #tpu.memory_space<hbm>> -> memref<8192x1024xf32, #tpu.memory_space<hbm>>
    tpu.wait_indirect_dma semaphore(%arg9 : memref<!tpu.dma_semaphore, #tpu.memory_space<semaphore_mem>>) src(%arg7 : memref<64x1024xf32, #tpu.memory_space<vmem>>) dst(%dma_wait3A_29 : memref<8192x1024xf32, #tpu.memory_space<hbm>>)
    return
  }
}

#map = affine_map<(d0, d1) -> (0)>
#map1 = affine_map<(d0, d1) -> (0, 0)>
module attributes {stable_mosaic.version = 14 : i64} {
  func.func @_sc_collect_body(%arg0: i32, %arg1: i32, %arg2: memref<2048xi32, #tpu.memory_space<hbm>>, %arg3: memref<2048xi32, #tpu.memory_space<hbm>>, %arg4: memref<8192x1024xf32, #tpu.memory_space<hbm>>, %arg5: memref<2048x1024xf32, #tpu.memory_space<hbm>>, %arg6: memref<2048x1024xf32, #tpu.memory_space<hbm>>, %arg7: memref<2x64xi32, #tpu.memory_space<vmem>>, %arg8: memref<32x1024xf32, #tpu.memory_space<vmem>>, %arg9: memref<32x1024xf32, #tpu.memory_space<vmem>>, %arg10: memref<!tpu.dma_semaphore, #tpu.memory_space<semaphore_mem>>, %arg11: memref<!tpu.dma_semaphore, #tpu.memory_space<semaphore_mem>>) attributes {dimension_semantics = [#tpu.dimension_semantics<core_parallel>, #tpu.dimension_semantics<subcore_parallel>], iteration_bounds = array<i64: 2, 16>, scalar_prefetch = 0 : i64, scratch_operands = 5 : i64, tpu.core_type = #tpu.core_type<sc_vector_subcore>, window_params = [{transform_indices = #map}, {transform_indices = #map}, {transform_indices = #map1}, {transform_indices = #map1}, {transform_indices = #map1}]} {
    %mul3A = arith.constant 2 : i32
    %mul3A_0 = arith.muli %arg1, %mul3A : i32
    %add3A = arith.addi %mul3A_0, %arg0 : i32
    %mul3A_1 = arith.constant 64 : i32
    %mul3A_2 = arith.muli %add3A, %mul3A_1 : i32
    %run_scoped3A = arith.constant 0 : i32
    "tpu.region"() ({
      %run_scoped3A_66 = tpu.sem_alloc : memref<!tpu.dma_semaphore, #tpu.memory_space<semaphore_mem>>
      %dma_start3A_67 = arith.constant 0 : i32
      %dma_start3A_68 = tpu.memref_slice %arg7[%run_scoped3A, %dma_start3A_67] : memref<2x64xi32, #tpu.memory_space<vmem>> -> memref<1x64xi32, #tpu.memory_space<vmem>>
      %dma_start3A_69 = tpu.memref_squeeze %dma_start3A_68 : memref<1x64xi32, #tpu.memory_space<vmem>> -> memref<64xi32, #tpu.memory_space<vmem>>
      %dma_start3A_70 = tpu.memref_slice %arg2[%mul3A_2] : memref<2048xi32, #tpu.memory_space<hbm>> -> memref<64xi32, #tpu.memory_space<hbm>>
      %dma_start3A_71 = arith.constant 0 : i32
      %dma_start3A_72 = tpu.memref_slice %arg7[%run_scoped3A, %dma_start3A_71] : memref<2x64xi32, #tpu.memory_space<vmem>> -> memref<1x64xi32, #tpu.memory_space<vmem>>
      %dma_start3A_73 = tpu.memref_squeeze %dma_start3A_72 : memref<1x64xi32, #tpu.memory_space<vmem>> -> memref<64xi32, #tpu.memory_space<vmem>>
      %dma_start3A_74 = tpu.memref_slice %arg2[%mul3A_2] : memref<2048xi32, #tpu.memory_space<hbm>> -> memref<64xi32, #tpu.memory_space<hbm>>
      tpu.enqueue_dma source(%dma_start3A_74 : memref<64xi32, #tpu.memory_space<hbm>>) target(%dma_start3A_73 : memref<64xi32, #tpu.memory_space<vmem>>) target_semaphore(%run_scoped3A_66 : memref<!tpu.dma_semaphore, #tpu.memory_space<semaphore_mem>>)
      %dma_wait3A_75 = arith.constant 0 : i32
      %dma_wait3A_76 = tpu.memref_slice %arg7[%run_scoped3A, %dma_wait3A_75] : memref<2x64xi32, #tpu.memory_space<vmem>> -> memref<1x64xi32, #tpu.memory_space<vmem>>
      %dma_wait3A_77 = tpu.memref_squeeze %dma_wait3A_76 : memref<1x64xi32, #tpu.memory_space<vmem>> -> memref<64xi32, #tpu.memory_space<vmem>>
      %dma_wait3A_78 = tpu.memref_slice %arg2[%mul3A_2] : memref<2048xi32, #tpu.memory_space<hbm>> -> memref<64xi32, #tpu.memory_space<hbm>>
      %dma_wait3A_79 = arith.constant 0 : i32
      %dma_wait3A_80 = tpu.memref_slice %arg7[%run_scoped3A, %dma_wait3A_79] : memref<2x64xi32, #tpu.memory_space<vmem>> -> memref<1x64xi32, #tpu.memory_space<vmem>>
      %dma_wait3A_81 = tpu.memref_squeeze %dma_wait3A_80 : memref<1x64xi32, #tpu.memory_space<vmem>> -> memref<64xi32, #tpu.memory_space<vmem>>
      %dma_wait3A_82 = tpu.memref_slice %arg2[%mul3A_2] : memref<2048xi32, #tpu.memory_space<hbm>> -> memref<64xi32, #tpu.memory_space<hbm>>
      tpu.wait_dma2 semaphore(%run_scoped3A_66 : memref<!tpu.dma_semaphore, #tpu.memory_space<semaphore_mem>>) src(%dma_wait3A_82 : memref<64xi32, #tpu.memory_space<hbm>>) dst(%dma_wait3A_81 : memref<64xi32, #tpu.memory_space<vmem>>)
      tpu.yield
    }) : () -> ()
    %run_scoped3A_3 = arith.constant 1 : i32
    "tpu.region"() ({
      %run_scoped3A_66 = tpu.sem_alloc : memref<!tpu.dma_semaphore, #tpu.memory_space<semaphore_mem>>
      %dma_start3A_67 = arith.constant 0 : i32
      %dma_start3A_68 = tpu.memref_slice %arg7[%run_scoped3A_3, %dma_start3A_67] : memref<2x64xi32, #tpu.memory_space<vmem>> -> memref<1x64xi32, #tpu.memory_space<vmem>>
      %dma_start3A_69 = tpu.memref_squeeze %dma_start3A_68 : memref<1x64xi32, #tpu.memory_space<vmem>> -> memref<64xi32, #tpu.memory_space<vmem>>
      %dma_start3A_70 = tpu.memref_slice %arg3[%mul3A_2] : memref<2048xi32, #tpu.memory_space<hbm>> -> memref<64xi32, #tpu.memory_space<hbm>>
      %dma_start3A_71 = arith.constant 0 : i32
      %dma_start3A_72 = tpu.memref_slice %arg7[%run_scoped3A_3, %dma_start3A_71] : memref<2x64xi32, #tpu.memory_space<vmem>> -> memref<1x64xi32, #tpu.memory_space<vmem>>
      %dma_start3A_73 = tpu.memref_squeeze %dma_start3A_72 : memref<1x64xi32, #tpu.memory_space<vmem>> -> memref<64xi32, #tpu.memory_space<vmem>>
      %dma_start3A_74 = tpu.memref_slice %arg3[%mul3A_2] : memref<2048xi32, #tpu.memory_space<hbm>> -> memref<64xi32, #tpu.memory_space<hbm>>
      tpu.enqueue_dma source(%dma_start3A_74 : memref<64xi32, #tpu.memory_space<hbm>>) target(%dma_start3A_73 : memref<64xi32, #tpu.memory_space<vmem>>) target_semaphore(%run_scoped3A_66 : memref<!tpu.dma_semaphore, #tpu.memory_space<semaphore_mem>>)
      %dma_wait3A_75 = arith.constant 0 : i32
      %dma_wait3A_76 = tpu.memref_slice %arg7[%run_scoped3A_3, %dma_wait3A_75] : memref<2x64xi32, #tpu.memory_space<vmem>> -> memref<1x64xi32, #tpu.memory_space<vmem>>
      %dma_wait3A_77 = tpu.memref_squeeze %dma_wait3A_76 : memref<1x64xi32, #tpu.memory_space<vmem>> -> memref<64xi32, #tpu.memory_space<vmem>>
      %dma_wait3A_78 = tpu.memref_slice %arg3[%mul3A_2] : memref<2048xi32, #tpu.memory_space<hbm>> -> memref<64xi32, #tpu.memory_space<hbm>>
      %dma_wait3A_79 = arith.constant 0 : i32
      %dma_wait3A_80 = tpu.memref_slice %arg7[%run_scoped3A_3, %dma_wait3A_79] : memref<2x64xi32, #tpu.memory_space<vmem>> -> memref<1x64xi32, #tpu.memory_space<vmem>>
      %dma_wait3A_81 = tpu.memref_squeeze %dma_wait3A_80 : memref<1x64xi32, #tpu.memory_space<vmem>> -> memref<64xi32, #tpu.memory_space<vmem>>
      %dma_wait3A_82 = tpu.memref_slice %arg3[%mul3A_2] : memref<2048xi32, #tpu.memory_space<hbm>> -> memref<64xi32, #tpu.memory_space<hbm>>
      tpu.wait_dma2 semaphore(%run_scoped3A_66 : memref<!tpu.dma_semaphore, #tpu.memory_space<semaphore_mem>>) src(%dma_wait3A_82 : memref<64xi32, #tpu.memory_space<hbm>>) dst(%dma_wait3A_81 : memref<64xi32, #tpu.memory_space<vmem>>)
      tpu.yield
    }) : () -> ()
    %dma_start3A = arith.constant 0 : i32
    %dma_start3A_4 = arith.constant 0 : i32
    %dma_start3A_5 = tpu.memref_slice %arg7[%dma_start3A, %dma_start3A_4] : memref<2x64xi32, #tpu.memory_space<vmem>> -> memref<1x32xi32, #tpu.memory_space<vmem>>
    %dma_start3A_6 = tpu.memref_squeeze %dma_start3A_5 : memref<1x32xi32, #tpu.memory_space<vmem>> -> memref<32xi32, #tpu.memory_space<vmem>>
    %dma_start3A_7 = arith.constant 0 : i32
    %dma_start3A_8 = arith.constant 0 : i32
    %dma_start3A_9 = tpu.memref_slice %arg4[%dma_start3A_7, %dma_start3A_8] : memref<8192x1024xf32, #tpu.memory_space<hbm>> -> memref<8192x1024xf32, #tpu.memory_space<hbm>>
    tpu.enqueue_indirect_dma source(%dma_start3A_9 : memref<8192x1024xf32, #tpu.memory_space<hbm>>) target(%arg8 : memref<32x1024xf32, #tpu.memory_space<vmem>>) offsets(%dma_start3A_6 : memref<32xi32, #tpu.memory_space<vmem>>) semaphore(%arg10 : memref<!tpu.dma_semaphore, #tpu.memory_space<semaphore_mem>>)
    %dma_start3A_10 = arith.constant 1 : i32
    %dma_start3A_11 = arith.constant 0 : i32
    %dma_start3A_12 = tpu.memref_slice %arg7[%dma_start3A_10, %dma_start3A_11] : memref<2x64xi32, #tpu.memory_space<vmem>> -> memref<1x32xi32, #tpu.memory_space<vmem>>
    %dma_start3A_13 = tpu.memref_squeeze %dma_start3A_12 : memref<1x32xi32, #tpu.memory_space<vmem>> -> memref<32xi32, #tpu.memory_space<vmem>>
    %dma_start3A_14 = arith.constant 0 : i32
    %dma_start3A_15 = arith.constant 0 : i32
    %dma_start3A_16 = tpu.memref_slice %arg4[%dma_start3A_14, %dma_start3A_15] : memref<8192x1024xf32, #tpu.memory_space<hbm>> -> memref<8192x1024xf32, #tpu.memory_space<hbm>>
    tpu.enqueue_indirect_dma source(%dma_start3A_16 : memref<8192x1024xf32, #tpu.memory_space<hbm>>) target(%arg9 : memref<32x1024xf32, #tpu.memory_space<vmem>>) offsets(%dma_start3A_13 : memref<32xi32, #tpu.memory_space<vmem>>) semaphore(%arg11 : memref<!tpu.dma_semaphore, #tpu.memory_space<semaphore_mem>>)
    %dma_wait3A = arith.constant 0 : i32
    %dma_wait3A_17 = arith.constant 0 : i32
    %dma_wait3A_18 = tpu.memref_slice %arg7[%dma_wait3A, %dma_wait3A_17] : memref<2x64xi32, #tpu.memory_space<vmem>> -> memref<1x32xi32, #tpu.memory_space<vmem>>
    %dma_wait3A_19 = tpu.memref_squeeze %dma_wait3A_18 : memref<1x32xi32, #tpu.memory_space<vmem>> -> memref<32xi32, #tpu.memory_space<vmem>>
    %dma_wait3A_20 = arith.constant 0 : i32
    %dma_wait3A_21 = arith.constant 0 : i32
    %dma_wait3A_22 = tpu.memref_slice %arg4[%dma_wait3A_20, %dma_wait3A_21] : memref<8192x1024xf32, #tpu.memory_space<hbm>> -> memref<8192x1024xf32, #tpu.memory_space<hbm>>
    tpu.wait_indirect_dma semaphore(%arg10 : memref<!tpu.dma_semaphore, #tpu.memory_space<semaphore_mem>>) src(%dma_wait3A_22 : memref<8192x1024xf32, #tpu.memory_space<hbm>>) dst(%arg8 : memref<32x1024xf32, #tpu.memory_space<vmem>>)
    %add3A_23 = arith.constant 0 : i32
    %add3A_24 = arith.addi %mul3A_2, %add3A_23 : i32
    "tpu.region"() ({
      %run_scoped3A_66 = tpu.sem_alloc : memref<!tpu.dma_semaphore, #tpu.memory_space<semaphore_mem>>
      %dma_start3A_67 = arith.constant 0 : i32
      %dma_start3A_68 = tpu.memref_slice %arg5[%add3A_24, %dma_start3A_67] : memref<2048x1024xf32, #tpu.memory_space<hbm>> -> memref<32x1024xf32, #tpu.memory_space<hbm>>
      %dma_start3A_69 = arith.constant 0 : i32
      %dma_start3A_70 = tpu.memref_slice %arg5[%add3A_24, %dma_start3A_69] : memref<2048x1024xf32, #tpu.memory_space<hbm>> -> memref<32x1024xf32, #tpu.memory_space<hbm>>
      tpu.enqueue_dma source(%arg8 : memref<32x1024xf32, #tpu.memory_space<vmem>>) target(%dma_start3A_70 : memref<32x1024xf32, #tpu.memory_space<hbm>>) target_semaphore(%run_scoped3A_66 : memref<!tpu.dma_semaphore, #tpu.memory_space<semaphore_mem>>)
      %dma_wait3A_71 = arith.constant 0 : i32
      %dma_wait3A_72 = tpu.memref_slice %arg5[%add3A_24, %dma_wait3A_71] : memref<2048x1024xf32, #tpu.memory_space<hbm>> -> memref<32x1024xf32, #tpu.memory_space<hbm>>
      %dma_wait3A_73 = arith.constant 0 : i32
      %dma_wait3A_74 = tpu.memref_slice %arg5[%add3A_24, %dma_wait3A_73] : memref<2048x1024xf32, #tpu.memory_space<hbm>> -> memref<32x1024xf32, #tpu.memory_space<hbm>>
      tpu.wait_dma2 semaphore(%run_scoped3A_66 : memref<!tpu.dma_semaphore, #tpu.memory_space<semaphore_mem>>) src(%arg8 : memref<32x1024xf32, #tpu.memory_space<vmem>>) dst(%dma_wait3A_74 : memref<32x1024xf32, #tpu.memory_space<hbm>>)
      tpu.yield
    }) : () -> ()
    %dma_wait3A_25 = arith.constant 1 : i32
    %dma_wait3A_26 = arith.constant 0 : i32
    %dma_wait3A_27 = tpu.memref_slice %arg7[%dma_wait3A_25, %dma_wait3A_26] : memref<2x64xi32, #tpu.memory_space<vmem>> -> memref<1x32xi32, #tpu.memory_space<vmem>>
    %dma_wait3A_28 = tpu.memref_squeeze %dma_wait3A_27 : memref<1x32xi32, #tpu.memory_space<vmem>> -> memref<32xi32, #tpu.memory_space<vmem>>
    %dma_wait3A_29 = arith.constant 0 : i32
    %dma_wait3A_30 = arith.constant 0 : i32
    %dma_wait3A_31 = tpu.memref_slice %arg4[%dma_wait3A_29, %dma_wait3A_30] : memref<8192x1024xf32, #tpu.memory_space<hbm>> -> memref<8192x1024xf32, #tpu.memory_space<hbm>>
    tpu.wait_indirect_dma semaphore(%arg11 : memref<!tpu.dma_semaphore, #tpu.memory_space<semaphore_mem>>) src(%dma_wait3A_31 : memref<8192x1024xf32, #tpu.memory_space<hbm>>) dst(%arg9 : memref<32x1024xf32, #tpu.memory_space<vmem>>)
    %add3A_32 = arith.constant 0 : i32
    %add3A_33 = arith.addi %mul3A_2, %add3A_32 : i32
    "tpu.region"() ({
      %run_scoped3A_66 = tpu.sem_alloc : memref<!tpu.dma_semaphore, #tpu.memory_space<semaphore_mem>>
      %dma_start3A_67 = arith.constant 0 : i32
      %dma_start3A_68 = tpu.memref_slice %arg6[%add3A_33, %dma_start3A_67] : memref<2048x1024xf32, #tpu.memory_space<hbm>> -> memref<32x1024xf32, #tpu.memory_space<hbm>>
      %dma_start3A_69 = arith.constant 0 : i32
      %dma_start3A_70 = tpu.memref_slice %arg6[%add3A_33, %dma_start3A_69] : memref<2048x1024xf32, #tpu.memory_space<hbm>> -> memref<32x1024xf32, #tpu.memory_space<hbm>>
      tpu.enqueue_dma source(%arg9 : memref<32x1024xf32, #tpu.memory_space<vmem>>) target(%dma_start3A_70 : memref<32x1024xf32, #tpu.memory_space<hbm>>) target_semaphore(%run_scoped3A_66 : memref<!tpu.dma_semaphore, #tpu.memory_space<semaphore_mem>>)
      %dma_wait3A_71 = arith.constant 0 : i32
      %dma_wait3A_72 = tpu.memref_slice %arg6[%add3A_33, %dma_wait3A_71] : memref<2048x1024xf32, #tpu.memory_space<hbm>> -> memref<32x1024xf32, #tpu.memory_space<hbm>>
      %dma_wait3A_73 = arith.constant 0 : i32
      %dma_wait3A_74 = tpu.memref_slice %arg6[%add3A_33, %dma_wait3A_73] : memref<2048x1024xf32, #tpu.memory_space<hbm>> -> memref<32x1024xf32, #tpu.memory_space<hbm>>
      tpu.wait_dma2 semaphore(%run_scoped3A_66 : memref<!tpu.dma_semaphore, #tpu.memory_space<semaphore_mem>>) src(%arg9 : memref<32x1024xf32, #tpu.memory_space<vmem>>) dst(%dma_wait3A_74 : memref<32x1024xf32, #tpu.memory_space<hbm>>)
      tpu.yield
    }) : () -> ()
    %dma_start3A_34 = arith.constant 0 : i32
    %dma_start3A_35 = arith.constant 32 : i32
    %dma_start3A_36 = tpu.memref_slice %arg7[%dma_start3A_34, %dma_start3A_35] : memref<2x64xi32, #tpu.memory_space<vmem>> -> memref<1x32xi32, #tpu.memory_space<vmem>>
    %dma_start3A_37 = tpu.memref_squeeze %dma_start3A_36 : memref<1x32xi32, #tpu.memory_space<vmem>> -> memref<32xi32, #tpu.memory_space<vmem>>
    %dma_start3A_38 = arith.constant 0 : i32
    %dma_start3A_39 = arith.constant 0 : i32
    %dma_start3A_40 = tpu.memref_slice %arg4[%dma_start3A_38, %dma_start3A_39] : memref<8192x1024xf32, #tpu.memory_space<hbm>> -> memref<8192x1024xf32, #tpu.memory_space<hbm>>
    tpu.enqueue_indirect_dma source(%dma_start3A_40 : memref<8192x1024xf32, #tpu.memory_space<hbm>>) target(%arg8 : memref<32x1024xf32, #tpu.memory_space<vmem>>) offsets(%dma_start3A_37 : memref<32xi32, #tpu.memory_space<vmem>>) semaphore(%arg10 : memref<!tpu.dma_semaphore, #tpu.memory_space<semaphore_mem>>)
    %dma_start3A_41 = arith.constant 1 : i32
    %dma_start3A_42 = arith.constant 32 : i32
    %dma_start3A_43 = tpu.memref_slice %arg7[%dma_start3A_41, %dma_start3A_42] : memref<2x64xi32, #tpu.memory_space<vmem>> -> memref<1x32xi32, #tpu.memory_space<vmem>>
    %dma_start3A_44 = tpu.memref_squeeze %dma_start3A_43 : memref<1x32xi32, #tpu.memory_space<vmem>> -> memref<32xi32, #tpu.memory_space<vmem>>
    %dma_start3A_45 = arith.constant 0 : i32
    %dma_start3A_46 = arith.constant 0 : i32
    %dma_start3A_47 = tpu.memref_slice %arg4[%dma_start3A_45, %dma_start3A_46] : memref<8192x1024xf32, #tpu.memory_space<hbm>> -> memref<8192x1024xf32, #tpu.memory_space<hbm>>
    tpu.enqueue_indirect_dma source(%dma_start3A_47 : memref<8192x1024xf32, #tpu.memory_space<hbm>>) target(%arg9 : memref<32x1024xf32, #tpu.memory_space<vmem>>) offsets(%dma_start3A_44 : memref<32xi32, #tpu.memory_space<vmem>>) semaphore(%arg11 : memref<!tpu.dma_semaphore, #tpu.memory_space<semaphore_mem>>)
    %dma_wait3A_48 = arith.constant 0 : i32
    %dma_wait3A_49 = arith.constant 32 : i32
    %dma_wait3A_50 = tpu.memref_slice %arg7[%dma_wait3A_48, %dma_wait3A_49] : memref<2x64xi32, #tpu.memory_space<vmem>> -> memref<1x32xi32, #tpu.memory_space<vmem>>
    %dma_wait3A_51 = tpu.memref_squeeze %dma_wait3A_50 : memref<1x32xi32, #tpu.memory_space<vmem>> -> memref<32xi32, #tpu.memory_space<vmem>>
    %dma_wait3A_52 = arith.constant 0 : i32
    %dma_wait3A_53 = arith.constant 0 : i32
    %dma_wait3A_54 = tpu.memref_slice %arg4[%dma_wait3A_52, %dma_wait3A_53] : memref<8192x1024xf32, #tpu.memory_space<hbm>> -> memref<8192x1024xf32, #tpu.memory_space<hbm>>
    tpu.wait_indirect_dma semaphore(%arg10 : memref<!tpu.dma_semaphore, #tpu.memory_space<semaphore_mem>>) src(%dma_wait3A_54 : memref<8192x1024xf32, #tpu.memory_space<hbm>>) dst(%arg8 : memref<32x1024xf32, #tpu.memory_space<vmem>>)
    %add3A_55 = arith.constant 32 : i32
    %add3A_56 = arith.addi %mul3A_2, %add3A_55 : i32
    "tpu.region"() ({
      %run_scoped3A_66 = tpu.sem_alloc : memref<!tpu.dma_semaphore, #tpu.memory_space<semaphore_mem>>
      %dma_start3A_67 = arith.constant 0 : i32
      %dma_start3A_68 = tpu.memref_slice %arg5[%add3A_56, %dma_start3A_67] : memref<2048x1024xf32, #tpu.memory_space<hbm>> -> memref<32x1024xf32, #tpu.memory_space<hbm>>
      %dma_start3A_69 = arith.constant 0 : i32
      %dma_start3A_70 = tpu.memref_slice %arg5[%add3A_56, %dma_start3A_69] : memref<2048x1024xf32, #tpu.memory_space<hbm>> -> memref<32x1024xf32, #tpu.memory_space<hbm>>
      tpu.enqueue_dma source(%arg8 : memref<32x1024xf32, #tpu.memory_space<vmem>>) target(%dma_start3A_70 : memref<32x1024xf32, #tpu.memory_space<hbm>>) target_semaphore(%run_scoped3A_66 : memref<!tpu.dma_semaphore, #tpu.memory_space<semaphore_mem>>)
      %dma_wait3A_71 = arith.constant 0 : i32
      %dma_wait3A_72 = tpu.memref_slice %arg5[%add3A_56, %dma_wait3A_71] : memref<2048x1024xf32, #tpu.memory_space<hbm>> -> memref<32x1024xf32, #tpu.memory_space<hbm>>
      %dma_wait3A_73 = arith.constant 0 : i32
      %dma_wait3A_74 = tpu.memref_slice %arg5[%add3A_56, %dma_wait3A_73] : memref<2048x1024xf32, #tpu.memory_space<hbm>> -> memref<32x1024xf32, #tpu.memory_space<hbm>>
      tpu.wait_dma2 semaphore(%run_scoped3A_66 : memref<!tpu.dma_semaphore, #tpu.memory_space<semaphore_mem>>) src(%arg8 : memref<32x1024xf32, #tpu.memory_space<vmem>>) dst(%dma_wait3A_74 : memref<32x1024xf32, #tpu.memory_space<hbm>>)
      tpu.yield
    }) : () -> ()
    %dma_wait3A_57 = arith.constant 1 : i32
    %dma_wait3A_58 = arith.constant 32 : i32
    %dma_wait3A_59 = tpu.memref_slice %arg7[%dma_wait3A_57, %dma_wait3A_58] : memref<2x64xi32, #tpu.memory_space<vmem>> -> memref<1x32xi32, #tpu.memory_space<vmem>>
    %dma_wait3A_60 = tpu.memref_squeeze %dma_wait3A_59 : memref<1x32xi32, #tpu.memory_space<vmem>> -> memref<32xi32, #tpu.memory_space<vmem>>
    %dma_wait3A_61 = arith.constant 0 : i32
    %dma_wait3A_62 = arith.constant 0 : i32
    %dma_wait3A_63 = tpu.memref_slice %arg4[%dma_wait3A_61, %dma_wait3A_62] : memref<8192x1024xf32, #tpu.memory_space<hbm>> -> memref<8192x1024xf32, #tpu.memory_space<hbm>>
    tpu.wait_indirect_dma semaphore(%arg11 : memref<!tpu.dma_semaphore, #tpu.memory_space<semaphore_mem>>) src(%dma_wait3A_63 : memref<8192x1024xf32, #tpu.memory_space<hbm>>) dst(%arg9 : memref<32x1024xf32, #tpu.memory_space<vmem>>)
    %add3A_64 = arith.constant 32 : i32
    %add3A_65 = arith.addi %mul3A_2, %add3A_64 : i32
    "tpu.region"() ({
      %run_scoped3A_66 = tpu.sem_alloc : memref<!tpu.dma_semaphore, #tpu.memory_space<semaphore_mem>>
      %dma_start3A_67 = arith.constant 0 : i32
      %dma_start3A_68 = tpu.memref_slice %arg6[%add3A_65, %dma_start3A_67] : memref<2048x1024xf32, #tpu.memory_space<hbm>> -> memref<32x1024xf32, #tpu.memory_space<hbm>>
      %dma_start3A_69 = arith.constant 0 : i32
      %dma_start3A_70 = tpu.memref_slice %arg6[%add3A_65, %dma_start3A_69] : memref<2048x1024xf32, #tpu.memory_space<hbm>> -> memref<32x1024xf32, #tpu.memory_space<hbm>>
      tpu.enqueue_dma source(%arg9 : memref<32x1024xf32, #tpu.memory_space<vmem>>) target(%dma_start3A_70 : memref<32x1024xf32, #tpu.memory_space<hbm>>) target_semaphore(%run_scoped3A_66 : memref<!tpu.dma_semaphore, #tpu.memory_space<semaphore_mem>>)
      %dma_wait3A_71 = arith.constant 0 : i32
      %dma_wait3A_72 = tpu.memref_slice %arg6[%add3A_65, %dma_wait3A_71] : memref<2048x1024xf32, #tpu.memory_space<hbm>> -> memref<32x1024xf32, #tpu.memory_space<hbm>>
      %dma_wait3A_73 = arith.constant 0 : i32
      %dma_wait3A_74 = tpu.memref_slice %arg6[%add3A_65, %dma_wait3A_73] : memref<2048x1024xf32, #tpu.memory_space<hbm>> -> memref<32x1024xf32, #tpu.memory_space<hbm>>
      tpu.wait_dma2 semaphore(%run_scoped3A_66 : memref<!tpu.dma_semaphore, #tpu.memory_space<semaphore_mem>>) src(%arg9 : memref<32x1024xf32, #tpu.memory_space<vmem>>) dst(%dma_wait3A_74 : memref<32x1024xf32, #tpu.memory_space<hbm>>)
      tpu.yield
    }) : () -> ()
    return
  }
}

module attributes {stable_mosaic.version = 14 : i64} {
  func.func @_plan_body(%arg0: i32, %arg1: memref<2048x1024xf32, #tpu.memory_space<vmem>>, %arg2: memref<8x1024xf32, #tpu.memory_space<vmem>>, %arg3: memref<1x2048xi32, #tpu.memory_space<vmem>>, %arg4: memref<1x2048xi32, #tpu.memory_space<vmem>>, %arg5: memref<1x2048xf32, #tpu.memory_space<vmem>>, %arg6: memref<1x2048xf32, #tpu.memory_space<vmem>>, %arg7: memref<1x16xi32, #tpu.memory_space<vmem>>, %arg8: memref<1x1xi32, #tpu.memory_space<vmem>>) attributes {dimension_semantics = [#tpu.dimension_semantics<arbitrary>], iteration_bounds = array<i64: 1>, scalar_prefetch = 0 : i64, scratch_operands = 0 : i64, tpu.core_type = #tpu.core_type<tc>, window_params = [{pipeline_mode = #tpu.pipeline_mode<synchronous>, transform_indices = @transform_0, window_bounds = array<i64: 2048, 1024>}, {pipeline_mode = #tpu.pipeline_mode<synchronous>, transform_indices = @transform_1, window_bounds = array<i64: 8, 1024>}, {pipeline_mode = #tpu.pipeline_mode<synchronous>, transform_indices = @transform_2, window_bounds = array<i64: 1, 2048>}, {pipeline_mode = #tpu.pipeline_mode<synchronous>, transform_indices = @transform_3, window_bounds = array<i64: 1, 2048>}, {pipeline_mode = #tpu.pipeline_mode<synchronous>, transform_indices = @transform_4, window_bounds = array<i64: 1, 2048>}, {pipeline_mode = #tpu.pipeline_mode<synchronous>, transform_indices = @transform_5, window_bounds = array<i64: 1, 2048>}, {pipeline_mode = #tpu.pipeline_mode<synchronous>, transform_indices = @transform_6, window_bounds = array<i64: 1, 16>}, {pipeline_mode = #tpu.pipeline_mode<synchronous>, transform_indices = @transform_7, window_bounds = array<i64: 1, 1>}]} {
    %get3A = arith.constant 0 : index
    %get3A_0 = arith.constant 0 : index
    %get3A_1 = vector.load %arg2[%get3A, %get3A_0] : memref<8x1024xf32, #tpu.memory_space<vmem>>, vector<8x1024xf32>
    %get3A_2 = arith.constant 0 : index
    %get3A_3 = arith.constant 0 : index
    %get3A_4 = vector.load %arg1[%get3A_2, %get3A_3] : memref<2048x1024xf32, #tpu.memory_space<vmem>>, vector<2048x1024xf32>
    %dot_general3A = arith.constant dense<0.000000e+00> : vector<8x2048xf32>
    %dot_general3A_5 = tpu.matmul %get3A_1, %get3A_4, %dot_general3A {dimension_numbers = #tpu.dot_dimension_numbers<[1], [1], [0], [0], [0, 0, 1, 0], [], []>, transpose_lhs_hint = false} : vector<8x1024xf32>, vector<2048x1024xf32>, vector<8x2048xf32> -> vector<8x2048xf32>
    %logistic3A = arith.negf %dot_general3A_5 : vector<8x2048xf32>
    %logistic3A_6 = math.exp %logistic3A : vector<8x2048xf32>
    %logistic3A_7 = arith.constant 1.000000e+00 : f32
    %logistic3A_8 = vector.broadcast %logistic3A_7 : f32 to vector<8x2048xf32>
    %logistic3A_9 = arith.addf %logistic3A_8, %logistic3A_6 : vector<8x2048xf32>
    %logistic3A_10 = arith.divf %logistic3A_8, %logistic3A_9 : vector<8x2048xf32>
    %iota3A = tpu.iota {dimensions = array<i32: 0>} : vector<8x2048xi32>
    %argmax3A = tpu.reduce_index %logistic3A_10 {axis = 0 : i32, kind = #tpu.reduction_kind<arg_max>} : vector<8x2048xf32> -> vector<2048xi32>
    %reduce_max3A = arith.constant dense<0xFF800000> : vector<2048xf32>
    %reduce_max3A_11 = vector.multi_reduction <maximumf>, %logistic3A_10, %reduce_max3A [0] : vector<8x2048xf32> to vector<2048xf32>
    %broadcast_in_dim3A = vector.shape_cast %argmax3A : vector<2048xi32> to vector<1x2048xi32>
    %eq3A = vector.broadcast %broadcast_in_dim3A : vector<1x2048xi32> to vector<8x2048xi32>
    %eq3A_12 = arith.cmpi eq, %iota3A, %eq3A : vector<8x2048xi32>
    %jit3A = arith.constant -1.000000e+00 : f32
    %broadcast_in_dim3A_13 = vector.broadcast %jit3A : f32 to vector<8x2048xf32>
    %select_n3A = arith.select %eq3A_12, %broadcast_in_dim3A_13, %logistic3A_10 : vector<8x2048xi1>, vector<8x2048xf32>
    %argmax3A_14 = tpu.reduce_index %select_n3A {axis = 0 : i32, kind = #tpu.reduction_kind<arg_max>} : vector<8x2048xf32> -> vector<2048xi32>
    %reduce_max3A_15 = arith.constant dense<0xFF800000> : vector<2048xf32>
    %reduce_max3A_16 = vector.multi_reduction <maximumf>, %select_n3A, %reduce_max3A_15 [0] : vector<8x2048xf32> to vector<2048xf32>
    %broadcast_in_dim3A_17 = vector.shape_cast %argmax3A_14 : vector<2048xi32> to vector<1x2048xi32>
    %eq3A_18 = vector.broadcast %broadcast_in_dim3A_17 : vector<1x2048xi32> to vector<8x2048xi32>
    %eq3A_19 = arith.cmpi eq, %iota3A, %eq3A_18 : vector<8x2048xi32>
    %add3A = arith.addf %reduce_max3A_11, %reduce_max3A_16 : vector<2048xf32>
    %div3A = arith.divf %reduce_max3A_11, %add3A : vector<2048xf32>
    %broadcast_in_dim3A_20 = vector.shape_cast %div3A : vector<2048xf32> to vector<1x2048xf32>
    %swap3A = arith.constant 0 : index
    %swap3A_21 = arith.constant 0 : index
    %swap3A_22 = vector.load %arg5[%swap3A, %swap3A_21] : memref<1x2048xf32, #tpu.memory_space<vmem>>, vector<1x2048xf32>
    tpu.vector_store %arg5[%swap3A, %swap3A_21], %broadcast_in_dim3A_20 {strides = array<i32>} : memref<1x2048xf32, #tpu.memory_space<vmem>>, vector<1x2048xf32>,
    %div3A_23 = arith.divf %reduce_max3A_16, %add3A : vector<2048xf32>
    %broadcast_in_dim3A_24 = vector.shape_cast %div3A_23 : vector<2048xf32> to vector<1x2048xf32>
    %swap3A_25 = arith.constant 0 : index
    %swap3A_26 = arith.constant 0 : index
    %swap3A_27 = vector.load %arg6[%swap3A_25, %swap3A_26] : memref<1x2048xf32, #tpu.memory_space<vmem>>, vector<1x2048xf32>
    tpu.vector_store %arg6[%swap3A_25, %swap3A_26], %broadcast_in_dim3A_24 {strides = array<i32>} : memref<1x2048xf32, #tpu.memory_space<vmem>>, vector<1x2048xf32>,
    %iota3A_28 = tpu.iota {dimensions = array<i32: 0>} : vector<2048x2048xi32>
    %iota3A_29 = tpu.iota {dimensions = array<i32: 1>} : vector<2048x2048xi32>
    %le3A = arith.cmpi sle, %iota3A_28, %iota3A_29 : vector<2048x2048xi32>
    %convert_element_type3A = arith.extui %le3A : vector<2048x2048xi1> to vector<2048x2048xi32>
    %convert_element_type3A_30 = arith.sitofp %convert_element_type3A : vector<2048x2048xi32> to vector<2048x2048xf32>
    %convert_element_type3A_31 = arith.truncf %convert_element_type3A_30 : vector<2048x2048xf32> to vector<2048x2048xbf16>
    %convert_element_type3A_32 = arith.extui %eq3A_12 : vector<8x2048xi1> to vector<8x2048xi32>
    %convert_element_type3A_33 = arith.sitofp %convert_element_type3A_32 : vector<8x2048xi32> to vector<8x2048xf32>
    %convert_element_type3A_34 = arith.truncf %convert_element_type3A_33 : vector<8x2048xf32> to vector<8x2048xbf16>
    %dot_general3A_35 = arith.constant dense<0.000000e+00> : vector<8x2048xf32>
    %dot_general3A_36 = tpu.matmul %convert_element_type3A_34, %convert_element_type3A_31, %dot_general3A_35 {dimension_numbers = #tpu.dot_dimension_numbers<[1], [0], [0], [1], [0, 0, 1, 1], [], []>, transpose_lhs_hint = false} : vector<8x2048xbf16>, vector<2048x2048xbf16>, vector<8x2048xf32> -> vector<8x2048xf32>
    %convert_element_type3A_37 = arith.extui %eq3A_19 : vector<8x2048xi1> to vector<8x2048xi32>
    %convert_element_type3A_38 = arith.sitofp %convert_element_type3A_37 : vector<8x2048xi32> to vector<8x2048xf32>
    %convert_element_type3A_39 = arith.truncf %convert_element_type3A_38 : vector<8x2048xf32> to vector<8x2048xbf16>
    %dot_general3A_40 = arith.constant dense<0.000000e+00> : vector<8x2048xf32>
    %dot_general3A_41 = tpu.matmul %convert_element_type3A_39, %convert_element_type3A_31, %dot_general3A_40 {dimension_numbers = #tpu.dot_dimension_numbers<[1], [0], [0], [1], [0, 0, 1, 1], [], []>, transpose_lhs_hint = false} : vector<8x2048xbf16>, vector<2048x2048xbf16>, vector<8x2048xf32> -> vector<8x2048xf32>
    %slice3A = vector.extract_strided_slice %dot_general3A_36 {offsets = [0, 2047], sizes = [8, 1], strides = [1, 1]} : vector<8x2048xf32> to vector<8x1xf32>
    %slice3A_42 = vector.extract_strided_slice %dot_general3A_41 {offsets = [0, 2047], sizes = [8, 1], strides = [1, 1]} : vector<8x2048xf32> to vector<8x1xf32>
    %add3A_43 = arith.addf %slice3A, %slice3A_42 : vector<8x1xf32>
    %add3A_44 = arith.constant 5.110000e+02 : f32
    %add3A_45 = vector.broadcast %add3A_44 : f32 to vector<8x1xf32>
    %add3A_46 = arith.addf %add3A_43, %add3A_45 : vector<8x1xf32>
    %mul3A = arith.constant 0.001953125 : f32
    %mul3A_47 = vector.broadcast %mul3A : f32 to vector<8x1xf32>
    %mul3A_48 = arith.mulf %add3A_46, %mul3A_47 : vector<8x1xf32>
    %floor3A = math.floor %mul3A_48 : vector<8x1xf32>
    %mul3A_49 = arith.constant 5.120000e+02 : f32
    %mul3A_50 = vector.broadcast %mul3A_49 : f32 to vector<8x1xf32>
    %mul3A_51 = arith.mulf %floor3A, %mul3A_50 : vector<8x1xf32>
    %iota3A_52 = tpu.iota {dimensions = array<i32: 0>} : vector<8x8xi32>
    %iota3A_53 = tpu.iota {dimensions = array<i32: 1>} : vector<8x8xi32>
    %lt3A = arith.cmpi slt, %iota3A_53, %iota3A_52 : vector<8x8xi32>
    %convert_element_type3A_54 = arith.extui %lt3A : vector<8x8xi1> to vector<8x8xi32>
    %convert_element_type3A_55 = arith.sitofp %convert_element_type3A_54 : vector<8x8xi32> to vector<8x8xf32>
    %dot_general3A_56 = arith.constant dense<0.000000e+00> : vector<8x1xf32>
    %dot_general3A_57 = tpu.matmul %convert_element_type3A_55, %mul3A_51, %dot_general3A_56 {dimension_numbers = #tpu.dot_dimension_numbers<[1], [0], [0], [1], [0, 0, 1, 1], [], []>, precision = #tpu.contract_precision<fp32>, transpose_lhs_hint = false} : vector<8x8xf32>, vector<8x1xf32>, vector<8x1xf32> -> vector<8x1xf32>
    %add3A_58 = vector.broadcast %dot_general3A_57 : vector<8x1xf32> to vector<8x2048xf32>
    %add3A_59 = arith.addf %add3A_58, %dot_general3A_36 : vector<8x2048xf32>
    %sub3A = arith.constant 1.000000e+00 : f32
    %sub3A_60 = vector.broadcast %sub3A : f32 to vector<8x2048xf32>
    %sub3A_61 = arith.subf %add3A_59, %sub3A_60 : vector<8x2048xf32>
    %jit3A_62 = arith.constant 0.000000e+00 : f32
    %broadcast_in_dim3A_63 = vector.broadcast %jit3A_62 : f32 to vector<8x2048xf32>
    %select_n3A_64 = arith.select %eq3A_12, %sub3A_61, %broadcast_in_dim3A_63 : vector<8x2048xi1>, vector<8x2048xf32>
    %reduce_sum3A = arith.constant dense<0.000000e+00> : vector<2048xf32>
    %reduce_sum3A_65 = vector.multi_reduction <add>, %select_n3A_64, %reduce_sum3A [0] : vector<8x2048xf32> to vector<2048xf32>
    %add3A_66 = arith.addf %dot_general3A_57, %slice3A : vector<8x1xf32>
    %add3A_67 = vector.broadcast %add3A_66 : vector<8x1xf32> to vector<8x2048xf32>
    %add3A_68 = arith.addf %add3A_67, %dot_general3A_41 : vector<8x2048xf32>
    %sub3A_69 = arith.constant 1.000000e+00 : f32
    %sub3A_70 = vector.broadcast %sub3A_69 : f32 to vector<8x2048xf32>
    %sub3A_71 = arith.subf %add3A_68, %sub3A_70 : vector<8x2048xf32>
    %jit3A_72 = arith.constant 0.000000e+00 : f32
    %broadcast_in_dim3A_73 = vector.broadcast %jit3A_72 : f32 to vector<8x2048xf32>
    %select_n3A_74 = arith.select %eq3A_19, %sub3A_71, %broadcast_in_dim3A_73 : vector<8x2048xi1>, vector<8x2048xf32>
    %reduce_sum3A_75 = arith.constant dense<0.000000e+00> : vector<2048xf32>
    %reduce_sum3A_76 = vector.multi_reduction <add>, %select_n3A_74, %reduce_sum3A_75 [0] : vector<8x2048xf32> to vector<2048xf32>
    %broadcast_in_dim3A_77 = vector.shape_cast %reduce_sum3A_65 : vector<2048xf32> to vector<1x2048xf32>
    %convert_element_type3A_78 = arith.fptosi %broadcast_in_dim3A_77 : vector<1x2048xf32> to vector<1x2048xi32>
    %swap3A_79 = arith.constant 0 : index
    %swap3A_80 = arith.constant 0 : index
    %swap3A_81 = vector.load %arg3[%swap3A_79, %swap3A_80] : memref<1x2048xi32, #tpu.memory_space<vmem>>, vector<1x2048xi32>
    tpu.vector_store %arg3[%swap3A_79, %swap3A_80], %convert_element_type3A_78 {strides = array<i32>} : memref<1x2048xi32, #tpu.memory_space<vmem>>, vector<1x2048xi32>,
    %broadcast_in_dim3A_82 = vector.shape_cast %reduce_sum3A_76 : vector<2048xf32> to vector<1x2048xf32>
    %convert_element_type3A_83 = arith.fptosi %broadcast_in_dim3A_82 : vector<1x2048xf32> to vector<1x2048xi32>
    %swap3A_84 = arith.constant 0 : index
    %swap3A_85 = arith.constant 0 : index
    %swap3A_86 = vector.load %arg4[%swap3A_84, %swap3A_85] : memref<1x2048xi32, #tpu.memory_space<vmem>>, vector<1x2048xi32>
    tpu.vector_store %arg4[%swap3A_84, %swap3A_85], %convert_element_type3A_83 {strides = array<i32>} : memref<1x2048xi32, #tpu.memory_space<vmem>>, vector<1x2048xi32>,
    %iota3A_87 = tpu.iota {dimensions = array<i32: 1>} : vector<8x16xi32>
    %mul3A_88 = arith.constant 512 : i32
    %mul3A_89 = vector.broadcast %mul3A_88 : i32 to vector<8x16xi32>
    %mul3A_90 = arith.muli %iota3A_87, %mul3A_89 : vector<8x16xi32>
    %convert_element_type3A_91 = arith.sitofp %mul3A_90 : vector<8x16xi32> to vector<8x16xf32>
    %le3A_92 = vector.broadcast %dot_general3A_57 : vector<8x1xf32> to vector<8x16xf32>
    %le3A_93 = arith.cmpf ole, %le3A_92, %convert_element_type3A_91 : vector<8x16xf32>
    %convert_element_type3A_94 = arith.extui %le3A_93 : vector<8x16xi1> to vector<8x16xi32>
    %reduce_sum3A_95 = arith.constant dense<0> : vector<16xi32>
    %reduce_sum3A_96 = vector.multi_reduction <add>, %convert_element_type3A_94, %reduce_sum3A_95 [0] : vector<8x16xi32> to vector<16xi32>
    %sub3A_97 = arith.constant 1 : i32
    %sub3A_98 = vector.broadcast %sub3A_97 : i32 to vector<16xi32>
    %sub3A_99 = arith.subi %reduce_sum3A_96, %sub3A_98 : vector<16xi32>
    %broadcast_in_dim3A_100 = vector.shape_cast %sub3A_99 : vector<16xi32> to vector<1x16xi32>
    %swap3A_101 = arith.constant 0 : index
    %swap3A_102 = arith.constant 0 : index
    %swap3A_103 = vector.load %arg7[%swap3A_101, %swap3A_102] : memref<1x16xi32, #tpu.memory_space<vmem>>, vector<1x16xi32>
    tpu.vector_store %arg7[%swap3A_101, %swap3A_102], %broadcast_in_dim3A_100 {strides = array<i32>} : memref<1x16xi32, #tpu.memory_space<vmem>>, vector<1x16xi32>,
    %slice3A_104 = vector.extract_strided_slice %dot_general3A_57 {offsets = [7, 0], sizes = [1, 1], strides = [1, 1]} : vector<8x1xf32> to vector<1x1xf32>
    %slice3A_105 = vector.extract_strided_slice %mul3A_51 {offsets = [7, 0], sizes = [1, 1], strides = [1, 1]} : vector<8x1xf32> to vector<1x1xf32>
    %add3A_106 = arith.addf %slice3A_104, %slice3A_105 : vector<1x1xf32>
    %mul3A_107 = arith.constant 0.001953125 : f32
    %mul3A_108 = vector.broadcast %mul3A_107 : f32 to vector<1x1xf32>
    %mul3A_109 = arith.mulf %add3A_106, %mul3A_108 : vector<1x1xf32>
    %convert_element_type3A_110 = arith.fptosi %mul3A_109 : vector<1x1xf32> to vector<1x1xi32>
    %swap3A_111 = arith.constant 0 : index
    %swap3A_112 = arith.constant 0 : index
    %swap3A_113 = vector.load %arg8[%swap3A_111, %swap3A_112] : memref<1x1xi32, #tpu.memory_space<vmem>>, vector<1x1xi32>
    tpu.vector_store %arg8[%swap3A_111, %swap3A_112], %convert_element_type3A_110 {strides = array<i32>} : memref<1x1xi32, #tpu.memory_space<vmem>>, vector<1x1xi32>,
    return
  }
  func.func @transform_0(%arg0: i32) -> (i32, i32) {
    %c0_i32 = arith.constant 0 : i32
    %c0_i32_0 = arith.constant 0 : i32
    %c0_i32_1 = arith.constant 0 : i32
    return %c0_i32, %c0_i32_0 : i32, i32
  }
  func.func @transform_1(%arg0: i32) -> (i32, i32) {
    %c0_i32 = arith.constant 0 : i32
    %c0_i32_0 = arith.constant 0 : i32
    %c0_i32_1 = arith.constant 0 : i32
    return %c0_i32, %c0_i32_0 : i32, i32
  }
  func.func @transform_2(%arg0: i32) -> (i32, i32) {
    %c0_i32 = arith.constant 0 : i32
    %c0_i32_0 = arith.constant 0 : i32
    %c0_i32_1 = arith.constant 0 : i32
    return %c0_i32, %c0_i32_0 : i32, i32
  }
  func.func @transform_3(%arg0: i32) -> (i32, i32) {
    %c0_i32 = arith.constant 0 : i32
    %c0_i32_0 = arith.constant 0 : i32
    %c0_i32_1 = arith.constant 0 : i32
    return %c0_i32, %c0_i32_0 : i32, i32
  }
  func.func @transform_4(%arg0: i32) -> (i32, i32) {
    %c0_i32 = arith.constant 0 : i32
    %c0_i32_0 = arith.constant 0 : i32
    %c0_i32_1 = arith.constant 0 : i32
    return %c0_i32, %c0_i32_0 : i32, i32
  }
  func.func @transform_5(%arg0: i32) -> (i32, i32) {
    %c0_i32 = arith.constant 0 : i32
    %c0_i32_0 = arith.constant 0 : i32
    %c0_i32_1 = arith.constant 0 : i32
    return %c0_i32, %c0_i32_0 : i32, i32
  }
  func.func @transform_6(%arg0: i32) -> (i32, i32) {
    %c0_i32 = arith.constant 0 : i32
    %c0_i32_0 = arith.constant 0 : i32
    %c0_i32_1 = arith.constant 0 : i32
    return %c0_i32, %c0_i32_0 : i32, i32
  }
  func.func @transform_7(%arg0: i32) -> (i32, i32) {
    %c0_i32 = arith.constant 0 : i32
    %c0_i32_0 = arith.constant 0 : i32
    %c0_i32_1 = arith.constant 0 : i32
    return %c0_i32, %c0_i32_0 : i32, i32
  }
}

module attributes {stable_mosaic.version = 14 : i64} {
  func.func @_moe_routed_body(%arg0: i32, %arg1: memref<16xi32, #tpu.memory_space<smem>>, %arg2: memref<1xi32, #tpu.memory_space<smem>>, %arg3: memref<512x1024xf32, #tpu.memory_space<vmem>>, %arg4: memref<1x1024x1024xi8, #tpu.memory_space<vmem>>, %arg5: memref<1x1024x8xi8, #tpu.memory_space<vmem>>, %arg6: memref<1x1024x8xf32, #tpu.memory_space<vmem>>, %arg7: memref<1x1024x1024xi8, #tpu.memory_space<vmem>>, %arg8: memref<1x1024x8xi8, #tpu.memory_space<vmem>>, %arg9: memref<1x1024x8xf32, #tpu.memory_space<vmem>>, %arg10: memref<1x1024x1024xi8, #tpu.memory_space<vmem>>, %arg11: memref<1x1024x8xi8, #tpu.memory_space<vmem>>, %arg12: memref<1x1024x8xf32, #tpu.memory_space<vmem>>, %arg13: memref<512x1024xf32, #tpu.memory_space<vmem>>, %arg14: memref<1024x1024xbf16, #tpu.memory_space<vmem>>, %arg15: memref<1024x1024xbf16, #tpu.memory_space<vmem>>, %arg16: memref<1024x1024xbf16, #tpu.memory_space<vmem>>) attributes {dimension_semantics = [#tpu.dimension_semantics<arbitrary>], iteration_bounds = array<i64: 16>, scalar_prefetch = 2 : i64, scratch_operands = 3 : i64, tpu.core_type = #tpu.core_type<tc>, window_params = [{transform_indices = @transform_0, window_bounds = array<i64: 512, 1024>}, {transform_indices = @transform_1, window_bounds = array<i64: 1, 1024, 1024>}, {transform_indices = @transform_2, window_bounds = array<i64: 1, 1024, 8>}, {transform_indices = @transform_3, window_bounds = array<i64: 1, 1024, 8>}, {transform_indices = @transform_4, window_bounds = array<i64: 1, 1024, 1024>}, {transform_indices = @transform_5, window_bounds = array<i64: 1, 1024, 8>}, {transform_indices = @transform_6, window_bounds = array<i64: 1, 1024, 8>}, {transform_indices = @transform_7, window_bounds = array<i64: 1, 1024, 1024>}, {transform_indices = @transform_8, window_bounds = array<i64: 1, 1024, 8>}, {transform_indices = @transform_9, window_bounds = array<i64: 1, 1024, 8>}, {transform_indices = @transform_10, window_bounds = array<i64: 512, 1024>}]} {
    %get3A = arith.index_cast %arg0 : i32 to index
    %get3A_0 = memref.load %arg1[%get3A] : memref<16xi32, #tpu.memory_space<smem>>
    %sub3A = arith.constant 1 : i32
    %sub3A_1 = arith.subi %arg0, %sub3A : i32
    %max3A = arith.constant 0 : i32
    %max3A_2 = arith.maxsi %sub3A_1, %max3A : i32
    %get3A_3 = arith.index_cast %max3A_2 : i32 to index
    %get3A_4 = memref.load %arg1[%get3A_3] : memref<16xi32, #tpu.memory_space<smem>>
    %eq3A = arith.constant 0 : i32
    %eq3A_5 = arith.cmpi eq, %arg0, %eq3A : i32
    %ne3A = arith.cmpi ne, %get3A_0, %get3A_4 : i32
    %or3A = arith.ori %eq3A_5, %ne3A : i1
    %convert_element_type3A = arith.extui %or3A : i1 to i32
    %cond3A = arith.constant 0 : i32
    %cond3A_6 = arith.cmpi ne, %convert_element_type3A, %cond3A : i32
    scf.if %cond3A_6 {
      %iota3A = tpu.iota {dimensions = array<i32: 1>} : vector<8x1024xi32>
      %jit3A = arith.constant 128 : i32
      %div3A = vector.broadcast %jit3A : i32 to vector<8x1024xi32>
      %div3A_12 = arith.divsi %iota3A, %div3A : vector<8x1024xi32>
      %sign3A = arith.constant 0 : i32
      %sign3A_13 = vector.broadcast %sign3A : i32 to vector<8x1024xi32>
      %sign3A_14 = arith.cmpi sgt, %iota3A, %sign3A_13 : vector<8x1024xi32>
      %sign3A_15 = arith.extui %sign3A_14 : vector<8x1024xi1> to vector<8x1024xi32>
      %sign3A_16 = arith.constant 0 : i32
      %sign3A_17 = vector.broadcast %sign3A_16 : i32 to vector<8x1024xi32>
      %sign3A_18 = arith.cmpi slt, %iota3A, %sign3A_17 : vector<8x1024xi32>
      %sign3A_19 = arith.extui %sign3A_18 : vector<8x1024xi1> to vector<8x1024xi32>
      %sign3A_20 = arith.subi %sign3A_15, %sign3A_19 : vector<8x1024xi32>
      %sign3A_21 = arith.constant 0 : i32
      %sign3A_22 = arith.cmpi sgt, %jit3A, %sign3A_21 : i32
      %sign3A_23 = arith.extui %sign3A_22 : i1 to i32
      %sign3A_24 = arith.constant 0 : i32
      %sign3A_25 = arith.cmpi slt, %jit3A, %sign3A_24 : i32
      %sign3A_26 = arith.extui %sign3A_25 : i1 to i32
      %sign3A_27 = arith.subi %sign3A_23, %sign3A_26 : i32
      %ne3A_28 = vector.broadcast %sign3A_27 : i32 to vector<8x1024xi32>
      %ne3A_29 = arith.cmpi ne, %sign3A_20, %ne3A_28 : vector<8x1024xi32>
      %rem3A = vector.broadcast %jit3A : i32 to vector<8x1024xi32>
      %rem3A_30 = arith.remsi %iota3A, %rem3A : vector<8x1024xi32>
      %ne3A_31 = arith.constant 0 : i32
      %ne3A_32 = vector.broadcast %ne3A_31 : i32 to vector<8x1024xi32>
      %ne3A_33 = arith.cmpi ne, %rem3A_30, %ne3A_32 : vector<8x1024xi32>
      %and3A = arith.andi %ne3A_29, %ne3A_33 : vector<8x1024xi1>
      %sub3A_34 = arith.constant 1 : i32
      %sub3A_35 = vector.broadcast %sub3A_34 : i32 to vector<8x1024xi32>
      %sub3A_36 = arith.subi %div3A_12, %sub3A_35 : vector<8x1024xi32>
      %select_n3A = arith.select %and3A, %sub3A_36, %div3A_12 : vector<8x1024xi1>, vector<8x1024xi32>
      %iota3A_37 = tpu.iota {dimensions = array<i32: 0>} : vector<8x1024xi32>
      %eq3A_38 = arith.cmpi eq, %select_n3A, %iota3A_37 : vector<8x1024xi32>
      %convert_element_type3A_39 = arith.extui %eq3A_38 : vector<8x1024xi1> to vector<8x1024xi32>
      %convert_element_type3A_40 = arith.sitofp %convert_element_type3A_39 : vector<8x1024xi32> to vector<8x1024xf32>
      %convert_element_type3A_41 = arith.truncf %convert_element_type3A_40 : vector<8x1024xf32> to vector<8x1024xbf16>
      %get3A_42 = arith.constant 0 : index
      %get3A_43 = arith.constant 0 : index
      %get3A_44 = arith.constant 0 : index
      %get3A_45 = vector.load %arg6[%get3A_42, %get3A_43, %get3A_44] : memref<1x1024x8xf32, #tpu.memory_space<vmem>>, vector<1x1024x8xf32>
      %get3A_46 = vector.shape_cast %get3A_45 : vector<1x1024x8xf32> to vector<1024x8xf32>
      %get3A_47 = arith.constant 0 : index
      %get3A_48 = arith.constant 0 : index
      %get3A_49 = arith.constant 0 : index
      %get3A_50 = vector.load %arg5[%get3A_47, %get3A_48, %get3A_49] : memref<1x1024x8xi8, #tpu.memory_space<vmem>>, vector<1x1024x8xi8>
      %get3A_51 = vector.shape_cast %get3A_50 : vector<1x1024x8xi8> to vector<1024x8xi8>
      %convert_element_type3A_52 = arith.sitofp %get3A_51 : vector<1024x8xi8> to vector<1024x8xf32>
      %mul3A = arith.mulf %convert_element_type3A_52, %get3A_46 : vector<1024x8xf32>
      %convert_element_type3A_53 = arith.truncf %get3A_46 : vector<1024x8xf32> to vector<1024x8xbf16>
      %dot_general3A = arith.constant dense<0.000000e+00> : vector<1024x1024xf32>
      %dot_general3A_54 = tpu.matmul %convert_element_type3A_53, %convert_element_type3A_41, %dot_general3A {dimension_numbers = #tpu.dot_dimension_numbers<[1], [0], [0], [1], [0, 0, 1, 1], [], []>, transpose_lhs_hint = false} : vector<1024x8xbf16>, vector<8x1024xbf16>, vector<1024x1024xf32> -> vector<1024x1024xf32>
      %convert_element_type3A_55 = arith.truncf %mul3A : vector<1024x8xf32> to vector<1024x8xbf16>
      %dot_general3A_56 = arith.constant dense<0.000000e+00> : vector<1024x1024xf32>
      %dot_general3A_57 = tpu.matmul %convert_element_type3A_55, %convert_element_type3A_41, %dot_general3A_56 {dimension_numbers = #tpu.dot_dimension_numbers<[1], [0], [0], [1], [0, 0, 1, 1], [], []>, transpose_lhs_hint = false} : vector<1024x8xbf16>, vector<8x1024xbf16>, vector<1024x1024xf32> -> vector<1024x1024xf32>
      %get3A_58 = arith.constant 0 : index
      %get3A_59 = arith.constant 0 : index
      %get3A_60 = arith.constant 0 : index
      %get3A_61 = vector.load %arg4[%get3A_58, %get3A_59, %get3A_60] : memref<1x1024x1024xi8, #tpu.memory_space<vmem>>, vector<1x1024x1024xi8>
      %get3A_62 = vector.shape_cast %get3A_61 : vector<1x1024x1024xi8> to vector<1024x1024xi8>
      %convert_element_type3A_63 = arith.sitofp %get3A_62 : vector<1024x1024xi8> to vector<1024x1024xf32>
      %mul3A_64 = arith.mulf %convert_element_type3A_63, %dot_general3A_54 : vector<1024x1024xf32>
      %sub3A_65 = arith.subf %mul3A_64, %dot_general3A_57 : vector<1024x1024xf32>
      %convert_element_type3A_66 = arith.truncf %sub3A_65 : vector<1024x1024xf32> to vector<1024x1024xbf16>
      %swap3A = arith.constant 0 : index
      %swap3A_67 = arith.constant 0 : index
      %swap3A_68 = vector.load %arg14[%swap3A, %swap3A_67] : memref<1024x1024xbf16, #tpu.memory_space<vmem>>, vector<1024x1024xbf16>
      tpu.vector_store %arg14[%swap3A, %swap3A_67], %convert_element_type3A_66 {strides = array<i32>} : memref<1024x1024xbf16, #tpu.memory_space<vmem>>, vector<1024x1024xbf16>,
      %iota3A_69 = tpu.iota {dimensions = array<i32: 1>} : vector<8x1024xi32>
      %jit3A_70 = arith.constant 128 : i32
      %div3A_71 = vector.broadcast %jit3A_70 : i32 to vector<8x1024xi32>
      %div3A_72 = arith.divsi %iota3A_69, %div3A_71 : vector<8x1024xi32>
      %sign3A_73 = arith.constant 0 : i32
      %sign3A_74 = vector.broadcast %sign3A_73 : i32 to vector<8x1024xi32>
      %sign3A_75 = arith.cmpi sgt, %iota3A_69, %sign3A_74 : vector<8x1024xi32>
      %sign3A_76 = arith.extui %sign3A_75 : vector<8x1024xi1> to vector<8x1024xi32>
      %sign3A_77 = arith.constant 0 : i32
      %sign3A_78 = vector.broadcast %sign3A_77 : i32 to vector<8x1024xi32>
      %sign3A_79 = arith.cmpi slt, %iota3A_69, %sign3A_78 : vector<8x1024xi32>
      %sign3A_80 = arith.extui %sign3A_79 : vector<8x1024xi1> to vector<8x1024xi32>
      %sign3A_81 = arith.subi %sign3A_76, %sign3A_80 : vector<8x1024xi32>
      %sign3A_82 = arith.constant 0 : i32
      %sign3A_83 = arith.cmpi sgt, %jit3A_70, %sign3A_82 : i32
      %sign3A_84 = arith.extui %sign3A_83 : i1 to i32
      %sign3A_85 = arith.constant 0 : i32
      %sign3A_86 = arith.cmpi slt, %jit3A_70, %sign3A_85 : i32
      %sign3A_87 = arith.extui %sign3A_86 : i1 to i32
      %sign3A_88 = arith.subi %sign3A_84, %sign3A_87 : i32
      %ne3A_89 = vector.broadcast %sign3A_88 : i32 to vector<8x1024xi32>
      %ne3A_90 = arith.cmpi ne, %sign3A_81, %ne3A_89 : vector<8x1024xi32>
      %rem3A_91 = vector.broadcast %jit3A_70 : i32 to vector<8x1024xi32>
      %rem3A_92 = arith.remsi %iota3A_69, %rem3A_91 : vector<8x1024xi32>
      %ne3A_93 = arith.constant 0 : i32
      %ne3A_94 = vector.broadcast %ne3A_93 : i32 to vector<8x1024xi32>
      %ne3A_95 = arith.cmpi ne, %rem3A_92, %ne3A_94 : vector<8x1024xi32>
      %and3A_96 = arith.andi %ne3A_90, %ne3A_95 : vector<8x1024xi1>
      %sub3A_97 = arith.constant 1 : i32
      %sub3A_98 = vector.broadcast %sub3A_97 : i32 to vector<8x1024xi32>
      %sub3A_99 = arith.subi %div3A_72, %sub3A_98 : vector<8x1024xi32>
      %select_n3A_100 = arith.select %and3A_96, %sub3A_99, %div3A_72 : vector<8x1024xi1>, vector<8x1024xi32>
      %iota3A_101 = tpu.iota {dimensions = array<i32: 0>} : vector<8x1024xi32>
      %eq3A_102 = arith.cmpi eq, %select_n3A_100, %iota3A_101 : vector<8x1024xi32>
      %convert_element_type3A_103 = arith.extui %eq3A_102 : vector<8x1024xi1> to vector<8x1024xi32>
      %convert_element_type3A_104 = arith.sitofp %convert_element_type3A_103 : vector<8x1024xi32> to vector<8x1024xf32>
      %convert_element_type3A_105 = arith.truncf %convert_element_type3A_104 : vector<8x1024xf32> to vector<8x1024xbf16>
      %get3A_106 = arith.constant 0 : index
      %get3A_107 = arith.constant 0 : index
      %get3A_108 = arith.constant 0 : index
      %get3A_109 = vector.load %arg9[%get3A_106, %get3A_107, %get3A_108] : memref<1x1024x8xf32, #tpu.memory_space<vmem>>, vector<1x1024x8xf32>
      %get3A_110 = vector.shape_cast %get3A_109 : vector<1x1024x8xf32> to vector<1024x8xf32>
      %get3A_111 = arith.constant 0 : index
      %get3A_112 = arith.constant 0 : index
      %get3A_113 = arith.constant 0 : index
      %get3A_114 = vector.load %arg8[%get3A_111, %get3A_112, %get3A_113] : memref<1x1024x8xi8, #tpu.memory_space<vmem>>, vector<1x1024x8xi8>
      %get3A_115 = vector.shape_cast %get3A_114 : vector<1x1024x8xi8> to vector<1024x8xi8>
      %convert_element_type3A_116 = arith.sitofp %get3A_115 : vector<1024x8xi8> to vector<1024x8xf32>
      %mul3A_117 = arith.mulf %convert_element_type3A_116, %get3A_110 : vector<1024x8xf32>
      %convert_element_type3A_118 = arith.truncf %get3A_110 : vector<1024x8xf32> to vector<1024x8xbf16>
      %dot_general3A_119 = arith.constant dense<0.000000e+00> : vector<1024x1024xf32>
      %dot_general3A_120 = tpu.matmul %convert_element_type3A_118, %convert_element_type3A_105, %dot_general3A_119 {dimension_numbers = #tpu.dot_dimension_numbers<[1], [0], [0], [1], [0, 0, 1, 1], [], []>, transpose_lhs_hint = false} : vector<1024x8xbf16>, vector<8x1024xbf16>, vector<1024x1024xf32> -> vector<1024x1024xf32>
      %convert_element_type3A_121 = arith.truncf %mul3A_117 : vector<1024x8xf32> to vector<1024x8xbf16>
      %dot_general3A_122 = arith.constant dense<0.000000e+00> : vector<1024x1024xf32>
      %dot_general3A_123 = tpu.matmul %convert_element_type3A_121, %convert_element_type3A_105, %dot_general3A_122 {dimension_numbers = #tpu.dot_dimension_numbers<[1], [0], [0], [1], [0, 0, 1, 1], [], []>, transpose_lhs_hint = false} : vector<1024x8xbf16>, vector<8x1024xbf16>, vector<1024x1024xf32> -> vector<1024x1024xf32>
      %get3A_124 = arith.constant 0 : index
      %get3A_125 = arith.constant 0 : index
      %get3A_126 = arith.constant 0 : index
      %get3A_127 = vector.load %arg7[%get3A_124, %get3A_125, %get3A_126] : memref<1x1024x1024xi8, #tpu.memory_space<vmem>>, vector<1x1024x1024xi8>
      %get3A_128 = vector.shape_cast %get3A_127 : vector<1x1024x1024xi8> to vector<1024x1024xi8>
      %convert_element_type3A_129 = arith.sitofp %get3A_128 : vector<1024x1024xi8> to vector<1024x1024xf32>
      %mul3A_130 = arith.mulf %convert_element_type3A_129, %dot_general3A_120 : vector<1024x1024xf32>
      %sub3A_131 = arith.subf %mul3A_130, %dot_general3A_123 : vector<1024x1024xf32>
      %convert_element_type3A_132 = arith.truncf %sub3A_131 : vector<1024x1024xf32> to vector<1024x1024xbf16>
      %swap3A_133 = arith.constant 0 : index
      %swap3A_134 = arith.constant 0 : index
      %swap3A_135 = vector.load %arg15[%swap3A_133, %swap3A_134] : memref<1024x1024xbf16, #tpu.memory_space<vmem>>, vector<1024x1024xbf16>
      tpu.vector_store %arg15[%swap3A_133, %swap3A_134], %convert_element_type3A_132 {strides = array<i32>} : memref<1024x1024xbf16, #tpu.memory_space<vmem>>, vector<1024x1024xbf16>,
      %iota3A_136 = tpu.iota {dimensions = array<i32: 1>} : vector<8x1024xi32>
      %jit3A_137 = arith.constant 128 : i32
      %div3A_138 = vector.broadcast %jit3A_137 : i32 to vector<8x1024xi32>
      %div3A_139 = arith.divsi %iota3A_136, %div3A_138 : vector<8x1024xi32>
      %sign3A_140 = arith.constant 0 : i32
      %sign3A_141 = vector.broadcast %sign3A_140 : i32 to vector<8x1024xi32>
      %sign3A_142 = arith.cmpi sgt, %iota3A_136, %sign3A_141 : vector<8x1024xi32>
      %sign3A_143 = arith.extui %sign3A_142 : vector<8x1024xi1> to vector<8x1024xi32>
      %sign3A_144 = arith.constant 0 : i32
      %sign3A_145 = vector.broadcast %sign3A_144 : i32 to vector<8x1024xi32>
      %sign3A_146 = arith.cmpi slt, %iota3A_136, %sign3A_145 : vector<8x1024xi32>
      %sign3A_147 = arith.extui %sign3A_146 : vector<8x1024xi1> to vector<8x1024xi32>
      %sign3A_148 = arith.subi %sign3A_143, %sign3A_147 : vector<8x1024xi32>
      %sign3A_149 = arith.constant 0 : i32
      %sign3A_150 = arith.cmpi sgt, %jit3A_137, %sign3A_149 : i32
      %sign3A_151 = arith.extui %sign3A_150 : i1 to i32
      %sign3A_152 = arith.constant 0 : i32
      %sign3A_153 = arith.cmpi slt, %jit3A_137, %sign3A_152 : i32
      %sign3A_154 = arith.extui %sign3A_153 : i1 to i32
      %sign3A_155 = arith.subi %sign3A_151, %sign3A_154 : i32
      %ne3A_156 = vector.broadcast %sign3A_155 : i32 to vector<8x1024xi32>
      %ne3A_157 = arith.cmpi ne, %sign3A_148, %ne3A_156 : vector<8x1024xi32>
      %rem3A_158 = vector.broadcast %jit3A_137 : i32 to vector<8x1024xi32>
      %rem3A_159 = arith.remsi %iota3A_136, %rem3A_158 : vector<8x1024xi32>
      %ne3A_160 = arith.constant 0 : i32
      %ne3A_161 = vector.broadcast %ne3A_160 : i32 to vector<8x1024xi32>
      %ne3A_162 = arith.cmpi ne, %rem3A_159, %ne3A_161 : vector<8x1024xi32>
      %and3A_163 = arith.andi %ne3A_157, %ne3A_162 : vector<8x1024xi1>
      %sub3A_164 = arith.constant 1 : i32
      %sub3A_165 = vector.broadcast %sub3A_164 : i32 to vector<8x1024xi32>
      %sub3A_166 = arith.subi %div3A_139, %sub3A_165 : vector<8x1024xi32>
      %select_n3A_167 = arith.select %and3A_163, %sub3A_166, %div3A_139 : vector<8x1024xi1>, vector<8x1024xi32>
      %iota3A_168 = tpu.iota {dimensions = array<i32: 0>} : vector<8x1024xi32>
      %eq3A_169 = arith.cmpi eq, %select_n3A_167, %iota3A_168 : vector<8x1024xi32>
      %convert_element_type3A_170 = arith.extui %eq3A_169 : vector<8x1024xi1> to vector<8x1024xi32>
      %convert_element_type3A_171 = arith.sitofp %convert_element_type3A_170 : vector<8x1024xi32> to vector<8x1024xf32>
      %convert_element_type3A_172 = arith.truncf %convert_element_type3A_171 : vector<8x1024xf32> to vector<8x1024xbf16>
      %get3A_173 = arith.constant 0 : index
      %get3A_174 = arith.constant 0 : index
      %get3A_175 = arith.constant 0 : index
      %get3A_176 = vector.load %arg12[%get3A_173, %get3A_174, %get3A_175] : memref<1x1024x8xf32, #tpu.memory_space<vmem>>, vector<1x1024x8xf32>
      %get3A_177 = vector.shape_cast %get3A_176 : vector<1x1024x8xf32> to vector<1024x8xf32>
      %get3A_178 = arith.constant 0 : index
      %get3A_179 = arith.constant 0 : index
      %get3A_180 = arith.constant 0 : index
      %get3A_181 = vector.load %arg11[%get3A_178, %get3A_179, %get3A_180] : memref<1x1024x8xi8, #tpu.memory_space<vmem>>, vector<1x1024x8xi8>
      %get3A_182 = vector.shape_cast %get3A_181 : vector<1x1024x8xi8> to vector<1024x8xi8>
      %convert_element_type3A_183 = arith.sitofp %get3A_182 : vector<1024x8xi8> to vector<1024x8xf32>
      %mul3A_184 = arith.mulf %convert_element_type3A_183, %get3A_177 : vector<1024x8xf32>
      %convert_element_type3A_185 = arith.truncf %get3A_177 : vector<1024x8xf32> to vector<1024x8xbf16>
      %dot_general3A_186 = arith.constant dense<0.000000e+00> : vector<1024x1024xf32>
      %dot_general3A_187 = tpu.matmul %convert_element_type3A_185, %convert_element_type3A_172, %dot_general3A_186 {dimension_numbers = #tpu.dot_dimension_numbers<[1], [0], [0], [1], [0, 0, 1, 1], [], []>, transpose_lhs_hint = false} : vector<1024x8xbf16>, vector<8x1024xbf16>, vector<1024x1024xf32> -> vector<1024x1024xf32>
      %convert_element_type3A_188 = arith.truncf %mul3A_184 : vector<1024x8xf32> to vector<1024x8xbf16>
      %dot_general3A_189 = arith.constant dense<0.000000e+00> : vector<1024x1024xf32>
      %dot_general3A_190 = tpu.matmul %convert_element_type3A_188, %convert_element_type3A_172, %dot_general3A_189 {dimension_numbers = #tpu.dot_dimension_numbers<[1], [0], [0], [1], [0, 0, 1, 1], [], []>, transpose_lhs_hint = false} : vector<1024x8xbf16>, vector<8x1024xbf16>, vector<1024x1024xf32> -> vector<1024x1024xf32>
      %get3A_191 = arith.constant 0 : index
      %get3A_192 = arith.constant 0 : index
      %get3A_193 = arith.constant 0 : index
      %get3A_194 = vector.load %arg10[%get3A_191, %get3A_192, %get3A_193] : memref<1x1024x1024xi8, #tpu.memory_space<vmem>>, vector<1x1024x1024xi8>
      %get3A_195 = vector.shape_cast %get3A_194 : vector<1x1024x1024xi8> to vector<1024x1024xi8>
      %convert_element_type3A_196 = arith.sitofp %get3A_195 : vector<1024x1024xi8> to vector<1024x1024xf32>
      %mul3A_197 = arith.mulf %convert_element_type3A_196, %dot_general3A_187 : vector<1024x1024xf32>
      %sub3A_198 = arith.subf %mul3A_197, %dot_general3A_190 : vector<1024x1024xf32>
      %convert_element_type3A_199 = arith.truncf %sub3A_198 : vector<1024x1024xf32> to vector<1024x1024xbf16>
      %swap3A_200 = arith.constant 0 : index
      %swap3A_201 = arith.constant 0 : index
      %swap3A_202 = vector.load %arg16[%swap3A_200, %swap3A_201] : memref<1024x1024xbf16, #tpu.memory_space<vmem>>, vector<1024x1024xbf16>
      tpu.vector_store %arg16[%swap3A_200, %swap3A_201], %convert_element_type3A_199 {strides = array<i32>} : memref<1024x1024xbf16, #tpu.memory_space<vmem>>, vector<1024x1024xbf16>,
    } else {
    }
    %get3A_7 = arith.constant 0 : index
    %get3A_8 = memref.load %arg2[%get3A_7] : memref<1xi32, #tpu.memory_space<smem>>
    %lt3A = arith.cmpi slt, %arg0, %get3A_8 : i32
    %convert_element_type3A_9 = arith.extui %lt3A : i1 to i32
    %cond3A_10 = arith.constant 0 : i32
    %cond3A_11 = arith.cmpi ne, %convert_element_type3A_9, %cond3A_10 : i32
    scf.if %cond3A_11 {
      %get3A_12 = arith.constant 0 : index
      %get3A_13 = arith.constant 0 : index
      %get3A_14 = vector.load %arg3[%get3A_12, %get3A_13] : memref<512x1024xf32, #tpu.memory_space<vmem>>, vector<512x1024xf32>
      %convert_element_type3A_15 = arith.truncf %get3A_14 : vector<512x1024xf32> to vector<512x1024xbf16>
      %get3A_16 = arith.constant 0 : index
      %get3A_17 = arith.constant 0 : index
      %get3A_18 = vector.load %arg14[%get3A_16, %get3A_17] : memref<1024x1024xbf16, #tpu.memory_space<vmem>>, vector<1024x1024xbf16>
      %dot_general3A = arith.constant dense<0.000000e+00> : vector<512x1024xf32>
      %dot_general3A_19 = tpu.matmul %convert_element_type3A_15, %get3A_18, %dot_general3A {dimension_numbers = #tpu.dot_dimension_numbers<[1], [1], [0], [0], [0, 0, 1, 0], [], []>, transpose_lhs_hint = false} : vector<512x1024xbf16>, vector<1024x1024xbf16>, vector<512x1024xf32> -> vector<512x1024xf32>
      %get3A_20 = arith.constant 0 : index
      %get3A_21 = arith.constant 0 : index
      %get3A_22 = vector.load %arg15[%get3A_20, %get3A_21] : memref<1024x1024xbf16, #tpu.memory_space<vmem>>, vector<1024x1024xbf16>
      %dot_general3A_23 = arith.constant dense<0.000000e+00> : vector<512x1024xf32>
      %dot_general3A_24 = tpu.matmul %convert_element_type3A_15, %get3A_22, %dot_general3A_23 {dimension_numbers = #tpu.dot_dimension_numbers<[1], [1], [0], [0], [0, 0, 1, 0], [], []>, transpose_lhs_hint = false} : vector<512x1024xbf16>, vector<1024x1024xbf16>, vector<512x1024xf32> -> vector<512x1024xf32>
      %logistic3A = arith.negf %dot_general3A_19 : vector<512x1024xf32>
      %logistic3A_25 = math.exp %logistic3A : vector<512x1024xf32>
      %logistic3A_26 = arith.constant 1.000000e+00 : f32
      %logistic3A_27 = vector.broadcast %logistic3A_26 : f32 to vector<512x1024xf32>
      %logistic3A_28 = arith.addf %logistic3A_27, %logistic3A_25 : vector<512x1024xf32>
      %logistic3A_29 = arith.divf %logistic3A_27, %logistic3A_28 : vector<512x1024xf32>
      %mul3A = arith.mulf %dot_general3A_19, %logistic3A_29 : vector<512x1024xf32>
      %mul3A_30 = arith.mulf %mul3A, %dot_general3A_24 : vector<512x1024xf32>
      %convert_element_type3A_31 = arith.truncf %mul3A_30 : vector<512x1024xf32> to vector<512x1024xbf16>
      %get3A_32 = arith.constant 0 : index
      %get3A_33 = arith.constant 0 : index
      %get3A_34 = vector.load %arg16[%get3A_32, %get3A_33] : memref<1024x1024xbf16, #tpu.memory_space<vmem>>, vector<1024x1024xbf16>
      %dot_general3A_35 = arith.constant dense<0.000000e+00> : vector<512x1024xf32>
      %dot_general3A_36 = tpu.matmul %convert_element_type3A_31, %get3A_34, %dot_general3A_35 {dimension_numbers = #tpu.dot_dimension_numbers<[1], [1], [0], [0], [0, 0, 1, 0], [], []>, transpose_lhs_hint = false} : vector<512x1024xbf16>, vector<1024x1024xbf16>, vector<512x1024xf32> -> vector<512x1024xf32>
      %swap3A = arith.constant 0 : index
      %swap3A_37 = arith.constant 0 : index
      %swap3A_38 = vector.load %arg13[%swap3A, %swap3A_37] : memref<512x1024xf32, #tpu.memory_space<vmem>>, vector<512x1024xf32>
      tpu.vector_store %arg13[%swap3A, %swap3A_37], %dot_general3A_36 {strides = array<i32>} : memref<512x1024xf32, #tpu.memory_space<vmem>>, vector<512x1024xf32>,
    } else {
    }
    return
  }
  func.func @transform_0(%arg0: i32, %arg1: memref<16xi32, #tpu.memory_space<smem>>, %arg2: memref<1xi32, #tpu.memory_space<smem>>) -> (i32, i32) {
    %c0_i32 = arith.constant 0 : i32
    %c0_i32_0 = arith.constant 0 : i32
    return %arg0, %c0_i32 : i32, i32
  }
  func.func @transform_1(%arg0: i32, %arg1: memref<16xi32, #tpu.memory_space<smem>>, %arg2: memref<1xi32, #tpu.memory_space<smem>>) -> (i32, i32, i32) {
    %get3A = arith.index_cast %arg0 : i32 to index
    %get3A_0 = memref.load %arg1[%get3A] : memref<16xi32, #tpu.memory_space<smem>>
    %c0_i32 = arith.constant 0 : i32
    %c0_i32_1 = arith.constant 0 : i32
    %c0_i32_2 = arith.constant 0 : i32
    return %get3A_0, %c0_i32, %c0_i32_1 : i32, i32, i32
  }
  func.func @transform_2(%arg0: i32, %arg1: memref<16xi32, #tpu.memory_space<smem>>, %arg2: memref<1xi32, #tpu.memory_space<smem>>) -> (i32, i32, i32) {
    %get3A = arith.index_cast %arg0 : i32 to index
    %get3A_0 = memref.load %arg1[%get3A] : memref<16xi32, #tpu.memory_space<smem>>
    %c0_i32 = arith.constant 0 : i32
    %c0_i32_1 = arith.constant 0 : i32
    %c0_i32_2 = arith.constant 0 : i32
    return %get3A_0, %c0_i32, %c0_i32_1 : i32, i32, i32
  }
  func.func @transform_3(%arg0: i32, %arg1: memref<16xi32, #tpu.memory_space<smem>>, %arg2: memref<1xi32, #tpu.memory_space<smem>>) -> (i32, i32, i32) {
    %get3A = arith.index_cast %arg0 : i32 to index
    %get3A_0 = memref.load %arg1[%get3A] : memref<16xi32, #tpu.memory_space<smem>>
    %c0_i32 = arith.constant 0 : i32
    %c0_i32_1 = arith.constant 0 : i32
    %c0_i32_2 = arith.constant 0 : i32
    return %get3A_0, %c0_i32, %c0_i32_1 : i32, i32, i32
  }
  func.func @transform_4(%arg0: i32, %arg1: memref<16xi32, #tpu.memory_space<smem>>, %arg2: memref<1xi32, #tpu.memory_space<smem>>) -> (i32, i32, i32) {
    %get3A = arith.index_cast %arg0 : i32 to index
    %get3A_0 = memref.load %arg1[%get3A] : memref<16xi32, #tpu.memory_space<smem>>
    %c0_i32 = arith.constant 0 : i32
    %c0_i32_1 = arith.constant 0 : i32
    %c0_i32_2 = arith.constant 0 : i32
    return %get3A_0, %c0_i32, %c0_i32_1 : i32, i32, i32
  }
  func.func @transform_5(%arg0: i32, %arg1: memref<16xi32, #tpu.memory_space<smem>>, %arg2: memref<1xi32, #tpu.memory_space<smem>>) -> (i32, i32, i32) {
    %get3A = arith.index_cast %arg0 : i32 to index
    %get3A_0 = memref.load %arg1[%get3A] : memref<16xi32, #tpu.memory_space<smem>>
    %c0_i32 = arith.constant 0 : i32
    %c0_i32_1 = arith.constant 0 : i32
    %c0_i32_2 = arith.constant 0 : i32
    return %get3A_0, %c0_i32, %c0_i32_1 : i32, i32, i32
  }
  func.func @transform_6(%arg0: i32, %arg1: memref<16xi32, #tpu.memory_space<smem>>, %arg2: memref<1xi32, #tpu.memory_space<smem>>) -> (i32, i32, i32) {
    %get3A = arith.index_cast %arg0 : i32 to index
    %get3A_0 = memref.load %arg1[%get3A] : memref<16xi32, #tpu.memory_space<smem>>
    %c0_i32 = arith.constant 0 : i32
    %c0_i32_1 = arith.constant 0 : i32
    %c0_i32_2 = arith.constant 0 : i32
    return %get3A_0, %c0_i32, %c0_i32_1 : i32, i32, i32
  }
  func.func @transform_7(%arg0: i32, %arg1: memref<16xi32, #tpu.memory_space<smem>>, %arg2: memref<1xi32, #tpu.memory_space<smem>>) -> (i32, i32, i32) {
    %get3A = arith.index_cast %arg0 : i32 to index
    %get3A_0 = memref.load %arg1[%get3A] : memref<16xi32, #tpu.memory_space<smem>>
    %c0_i32 = arith.constant 0 : i32
    %c0_i32_1 = arith.constant 0 : i32
    %c0_i32_2 = arith.constant 0 : i32
    return %get3A_0, %c0_i32, %c0_i32_1 : i32, i32, i32
  }
  func.func @transform_8(%arg0: i32, %arg1: memref<16xi32, #tpu.memory_space<smem>>, %arg2: memref<1xi32, #tpu.memory_space<smem>>) -> (i32, i32, i32) {
    %get3A = arith.index_cast %arg0 : i32 to index
    %get3A_0 = memref.load %arg1[%get3A] : memref<16xi32, #tpu.memory_space<smem>>
    %c0_i32 = arith.constant 0 : i32
    %c0_i32_1 = arith.constant 0 : i32
    %c0_i32_2 = arith.constant 0 : i32
    return %get3A_0, %c0_i32, %c0_i32_1 : i32, i32, i32
  }
  func.func @transform_9(%arg0: i32, %arg1: memref<16xi32, #tpu.memory_space<smem>>, %arg2: memref<1xi32, #tpu.memory_space<smem>>) -> (i32, i32, i32) {
    %get3A = arith.index_cast %arg0 : i32 to index
    %get3A_0 = memref.load %arg1[%get3A] : memref<16xi32, #tpu.memory_space<smem>>
    %c0_i32 = arith.constant 0 : i32
    %c0_i32_1 = arith.constant 0 : i32
    %c0_i32_2 = arith.constant 0 : i32
    return %get3A_0, %c0_i32, %c0_i32_1 : i32, i32, i32
  }
  func.func @transform_10(%arg0: i32, %arg1: memref<16xi32, #tpu.memory_space<smem>>, %arg2: memref<1xi32, #tpu.memory_space<smem>>) -> (i32, i32) {
    %c0_i32 = arith.constant 0 : i32
    %c0_i32_0 = arith.constant 0 : i32
    return %arg0, %c0_i32 : i32, i32
  }
}

module attributes {stable_mosaic.version = 14 : i64} {
  func.func @_shared_body(%arg0: i32, %arg1: memref<256x1024xbf16, #tpu.memory_space<vmem>>, %arg2: memref<256x1024xf32, #tpu.memory_space<vmem>>, %arg3: memref<256x1024xf32, #tpu.memory_space<vmem>>, %arg4: memref<256x1xf32, #tpu.memory_space<vmem>>, %arg5: memref<256x1xf32, #tpu.memory_space<vmem>>, %arg6: memref<2048x1024xbf16, #tpu.memory_space<vmem>>, %arg7: memref<2048x1024xbf16, #tpu.memory_space<vmem>>, %arg8: memref<1024x2048xbf16, #tpu.memory_space<vmem>>, %arg9: memref<256x1024xf32, #tpu.memory_space<vmem>>) attributes {dimension_semantics = [#tpu.dimension_semantics<arbitrary>], iteration_bounds = array<i64: 8>, scalar_prefetch = 0 : i64, scratch_operands = 0 : i64, tpu.core_type = #tpu.core_type<tc>, window_params = [{transform_indices = @transform_0, window_bounds = array<i64: 256, 1024>}, {transform_indices = @transform_1, window_bounds = array<i64: 256, 1024>}, {transform_indices = @transform_2, window_bounds = array<i64: 256, 1024>}, {transform_indices = @transform_3, window_bounds = array<i64: 256, 1>}, {transform_indices = @transform_4, window_bounds = array<i64: 256, 1>}, {pipeline_mode = #tpu.pipeline_mode<synchronous>, transform_indices = @transform_5, window_bounds = array<i64: 2048, 1024>}, {pipeline_mode = #tpu.pipeline_mode<synchronous>, transform_indices = @transform_6, window_bounds = array<i64: 2048, 1024>}, {pipeline_mode = #tpu.pipeline_mode<synchronous>, transform_indices = @transform_7, window_bounds = array<i64: 1024, 2048>}, {transform_indices = @transform_8, window_bounds = array<i64: 256, 1024>}]} {
    %get3A = arith.constant 0 : index
    %get3A_0 = arith.constant 0 : index
    %get3A_1 = vector.load %arg1[%get3A, %get3A_0] : memref<256x1024xbf16, #tpu.memory_space<vmem>>, vector<256x1024xbf16>
    %get3A_2 = arith.constant 0 : index
    %get3A_3 = arith.constant 0 : index
    %get3A_4 = vector.load %arg6[%get3A_2, %get3A_3] : memref<2048x1024xbf16, #tpu.memory_space<vmem>>, vector<2048x1024xbf16>
    %dot_general3A = arith.constant dense<0.000000e+00> : vector<256x2048xf32>
    %dot_general3A_5 = tpu.matmul %get3A_1, %get3A_4, %dot_general3A {dimension_numbers = #tpu.dot_dimension_numbers<[1], [1], [0], [0], [0, 0, 1, 0], [], []>, transpose_lhs_hint = false} : vector<256x1024xbf16>, vector<2048x1024xbf16>, vector<256x2048xf32> -> vector<256x2048xf32>
    %get3A_6 = arith.constant 0 : index
    %get3A_7 = arith.constant 0 : index
    %get3A_8 = vector.load %arg7[%get3A_6, %get3A_7] : memref<2048x1024xbf16, #tpu.memory_space<vmem>>, vector<2048x1024xbf16>
    %dot_general3A_9 = arith.constant dense<0.000000e+00> : vector<256x2048xf32>
    %dot_general3A_10 = tpu.matmul %get3A_1, %get3A_8, %dot_general3A_9 {dimension_numbers = #tpu.dot_dimension_numbers<[1], [1], [0], [0], [0, 0, 1, 0], [], []>, transpose_lhs_hint = false} : vector<256x1024xbf16>, vector<2048x1024xbf16>, vector<256x2048xf32> -> vector<256x2048xf32>
    %logistic3A = arith.negf %dot_general3A_5 : vector<256x2048xf32>
    %logistic3A_11 = math.exp %logistic3A : vector<256x2048xf32>
    %logistic3A_12 = arith.constant 1.000000e+00 : f32
    %logistic3A_13 = vector.broadcast %logistic3A_12 : f32 to vector<256x2048xf32>
    %logistic3A_14 = arith.addf %logistic3A_13, %logistic3A_11 : vector<256x2048xf32>
    %logistic3A_15 = arith.divf %logistic3A_13, %logistic3A_14 : vector<256x2048xf32>
    %mul3A = arith.mulf %dot_general3A_5, %logistic3A_15 : vector<256x2048xf32>
    %mul3A_16 = arith.mulf %mul3A, %dot_general3A_10 : vector<256x2048xf32>
    %convert_element_type3A = arith.truncf %mul3A_16 : vector<256x2048xf32> to vector<256x2048xbf16>
    %get3A_17 = arith.constant 0 : index
    %get3A_18 = arith.constant 0 : index
    %get3A_19 = vector.load %arg8[%get3A_17, %get3A_18] : memref<1024x2048xbf16, #tpu.memory_space<vmem>>, vector<1024x2048xbf16>
    %dot_general3A_20 = arith.constant dense<0.000000e+00> : vector<256x1024xf32>
    %dot_general3A_21 = tpu.matmul %convert_element_type3A, %get3A_19, %dot_general3A_20 {dimension_numbers = #tpu.dot_dimension_numbers<[1], [1], [0], [0], [0, 0, 1, 0], [], []>, transpose_lhs_hint = false} : vector<256x2048xbf16>, vector<1024x2048xbf16>, vector<256x1024xf32> -> vector<256x1024xf32>
    %get3A_22 = arith.constant 0 : index
    %get3A_23 = arith.constant 0 : index
    %get3A_24 = vector.load %arg2[%get3A_22, %get3A_23] : memref<256x1024xf32, #tpu.memory_space<vmem>>, vector<256x1024xf32>
    %get3A_25 = arith.constant 0 : index
    %get3A_26 = arith.constant 0 : index
    %get3A_27 = vector.load %arg4[%get3A_25, %get3A_26] : memref<256x1xf32, #tpu.memory_space<vmem>>, vector<256x1xf32>
    %mul3A_28 = vector.broadcast %get3A_27 : vector<256x1xf32> to vector<256x1024xf32>
    %mul3A_29 = arith.mulf %get3A_24, %mul3A_28 : vector<256x1024xf32>
    %add3A = arith.addf %dot_general3A_21, %mul3A_29 : vector<256x1024xf32>
    %get3A_30 = arith.constant 0 : index
    %get3A_31 = arith.constant 0 : index
    %get3A_32 = vector.load %arg3[%get3A_30, %get3A_31] : memref<256x1024xf32, #tpu.memory_space<vmem>>, vector<256x1024xf32>
    %get3A_33 = arith.constant 0 : index
    %get3A_34 = arith.constant 0 : index
    %get3A_35 = vector.load %arg5[%get3A_33, %get3A_34] : memref<256x1xf32, #tpu.memory_space<vmem>>, vector<256x1xf32>
    %mul3A_36 = vector.broadcast %get3A_35 : vector<256x1xf32> to vector<256x1024xf32>
    %mul3A_37 = arith.mulf %get3A_32, %mul3A_36 : vector<256x1024xf32>
    %add3A_38 = arith.addf %add3A, %mul3A_37 : vector<256x1024xf32>
    %swap3A = arith.constant 0 : index
    %swap3A_39 = arith.constant 0 : index
    %swap3A_40 = vector.load %arg9[%swap3A, %swap3A_39] : memref<256x1024xf32, #tpu.memory_space<vmem>>, vector<256x1024xf32>
    tpu.vector_store %arg9[%swap3A, %swap3A_39], %add3A_38 {strides = array<i32>} : memref<256x1024xf32, #tpu.memory_space<vmem>>, vector<256x1024xf32>,
    return
  }
  func.func @transform_0(%arg0: i32) -> (i32, i32) {
    %c0_i32 = arith.constant 0 : i32
    %c0_i32_0 = arith.constant 0 : i32
    return %arg0, %c0_i32 : i32, i32
  }
  func.func @transform_1(%arg0: i32) -> (i32, i32) {
    %c0_i32 = arith.constant 0 : i32
    %c0_i32_0 = arith.constant 0 : i32
    return %arg0, %c0_i32 : i32, i32
  }
  func.func @transform_2(%arg0: i32) -> (i32, i32) {
    %c0_i32 = arith.constant 0 : i32
    %c0_i32_0 = arith.constant 0 : i32
    return %arg0, %c0_i32 : i32, i32
  }
  func.func @transform_3(%arg0: i32) -> (i32, i32) {
    %c0_i32 = arith.constant 0 : i32
    %c0_i32_0 = arith.constant 0 : i32
    return %arg0, %c0_i32 : i32, i32
  }
  func.func @transform_4(%arg0: i32) -> (i32, i32) {
    %c0_i32 = arith.constant 0 : i32
    %c0_i32_0 = arith.constant 0 : i32
    return %arg0, %c0_i32 : i32, i32
  }
  func.func @transform_5(%arg0: i32) -> (i32, i32) {
    %c0_i32 = arith.constant 0 : i32
    %c0_i32_0 = arith.constant 0 : i32
    %c0_i32_1 = arith.constant 0 : i32
    return %c0_i32, %c0_i32_0 : i32, i32
  }
  func.func @transform_6(%arg0: i32) -> (i32, i32) {
    %c0_i32 = arith.constant 0 : i32
    %c0_i32_0 = arith.constant 0 : i32
    %c0_i32_1 = arith.constant 0 : i32
    return %c0_i32, %c0_i32_0 : i32, i32
  }
  func.func @transform_7(%arg0: i32) -> (i32, i32) {
    %c0_i32 = arith.constant 0 : i32
    %c0_i32_0 = arith.constant 0 : i32
    %c0_i32_1 = arith.constant 0 : i32
    return %c0_i32, %c0_i32_0 : i32, i32
  }
  func.func @transform_8(%arg0: i32) -> (i32, i32) {
    %c0_i32 = arith.constant 0 : i32
    %c0_i32_0 = arith.constant 0 : i32
    return %arg0, %c0_i32 : i32, i32
  }
}

</mosaic_0001>

<sc_bundles>
// kernel: kernel.10.cloned.1.call-start
scs
__scs_entry_jumppad:
0x0: {  	(pc) =	sbr.rel $0x88, $3  }
0x1: {  	(tag) =	ssettag $0x0;
	lr =	simm.s32 $0x1  }
0x2: {  	[smem:$0x3F93] =	sst lr;
	_ =	strace $0xD0000000  }
0x3: {  	_ = 	snop  }
0x4: {  	_ = 	snop  }
0x5: {  	_ = 	snop  }
0x6: {  	_ = 	snop  }
0x7: {  	_ = 	snop  }
__scs_overlays_trampoline_lowered:
0x8: {  	[smem:$0x3FA2] =	sst s0  }
0x9: {  	[smem:$0x3FA3] =	sst s1  }
0xa: {  	[smem:$0x3FA4] =	sst s2  }
0xb: {  	[smem:$0x3FA5] =	sst s3  }
0xc: {  	[smem:$0x3FA6] =	sst s4  }
0xd: {  	[smem:$0x3FA7] =	sst s5  }
0xe: {  	[smem:$0x3FA8] =	sst s6  }
0xf: {  	[smem:$0x3FA9] =	sst s7  }
0x10: {  	[smem:$0x3FAA] =	sst s8  }
0x11: {  	[smem:$0x3FAB] =	sst s9;
	s0 =	simm.s32 @!p0 $0x0  }
0x12: {  	s1 =	sld [smem:$0x3F91];
	s0 =	simm.s32 @p0 $0x1  }
0x13: {  	[smem:$0x3FAC] =	sst s0;
	s0 =	simm.s32 @!p1 $0x0  }
0x14: {  	s2 =	sld [smem:$0x3F90];
	s0 =	simm.s32 @p1 $0x1  }
0x15: {  	[smem:$0x3FAD] =	sst s0;
	s0 =	simm.s32 @!p2 $0x0  }
0x16: {  	s3 =	sld [smem:$0x3FDB];
	s0 =	simm.s32 @p2 $0x1  }
0x17: {  	s4 =	simm.s32 $0x1BF5;
	[smem:$0x3FAF] =	sst s0  }
0x18: {  	s0 =	sld [smem:$0x3F92];
	_ =	swait.ge [sflag:s4], $0x0  }
0x19: {  	s7 =	sld [smem:$0x3F93]  }
0x1a: {  	s8 =	sadd.s32 $0xFFFFE003, lr  }
0x1b: {  	s9 =	sadd.s32 $0xFFFFFEF7, lr;
	s5 =	simm.s32 $0xFFFFFFFF;
	p2 =	slt.u32 s8, $0xFFFFF086  }
0x1c: {  	p1 =	slt.u32 s9, $0xF7A;
	s5 =	simm.s32 @!p2 $0x0  }
0x1d: {  	s5 =	simm.s32 @p1 $0x1;
	p0 =	seq.s32 s7, s2  }
0x1e: {  	s7 =	smul.u32 @!p0 $0xF7A, s2;
	p2 =	seq.s32 @!p0 s5, $0x0  }
0x1f: {  	s9 =	smul.u32 $0xF7A, s1;
	s8 =	simm.s32 @!p0 $0x1BF5;
	p2 =	por !p2, p0  }
0x20: {  	[sflag:s8] =	ssyncset.s32 @!p0 $0xFFFFF086;
	s6 =	sadd.s32 @!p0 s3, s7;
	s7 =	simm.s32 @!p0 $0x108  }
0x21: {  	s3 =	sadd.s32 s3, s9;
	s6 =	sadd.s32 @!p0 $0x88, s6;
	s7 =	simm.s32 @p2 $0x1082  }
0x22: {  	[simem:s7], [sflag:s8] =	dma.local @!p0 [hbm:s6], $0xF7A  }
0x23: {  	s9 =	sor.u32 $0xD0000000, s2;
	s6 =	simm.s32 $0x108;
	_ =	swait.ge @!p0 [sflag:s8], $0x0  }
0x24: {  	s3 =	sadd.s32 $0x88, s3;
	s6 =	simm.s32 @!p1 $0x1082;
	[sflag:s4] =	ssyncset.s32 $0xFFFFF086  }
0x25: {  	[simem:s6], [sflag:s4] =	dma.local [hbm:s3], $0xF7A  }
0x26: {  	[smem:$0x3F93] =	sst s1;
	(tag) =	ssettag s2;
	_ =	strace s9  }
0x27: {  	s1 =	sld [smem:$0x3FA3]  }
0x28: {  	s2 =	sld [smem:$0x3FA4]  }
0x29: {  	s4 =	sld [smem:$0x3FA6]  }
0x2a: {  	p0 =	seq.s32 s5, $0x0;
	s5 =	sld [smem:$0x3FA7]  }
0x2b: {  	s6 =	sld [smem:$0x3FA8]  }
0x2c: {  	s7 =	sld [smem:$0x3FA9]  }
0x2d: {  	s3 =	simm.s32 $0x108;
	s8 =	sld [smem:$0x3FAA]  }
0x2e: {  	s3 =	simm.s32 @!p0 $0x1082;
	s9 =	sld [smem:$0x3FAB]  }
0x2f: {  	lr =	sadd.s32 s0, s3;
	s0 =	sld [smem:$0x3FA2]  }
0x30: {  	s3 =	sld [smem:$0x3FA5]  }
0x31: {  	[smem:$0x3FAE] =	sst s10  }
0x32: {  	s10 =	sld [smem:$0x3FAC];
	_ =	sdelay $0x3  }
0x33: {  	p0 =	seq.s32 s10, $0x1;
	s10 =	sld [smem:$0x3FAE];
	_ =	sdelay $0x3  }
0x34: {  	[smem:$0x3FAE] =	sst s10  }
0x35: {  	s10 =	sld [smem:$0x3FAD];
	_ =	sdelay $0x3  }
0x36: {  	p1 =	seq.s32 s10, $0x1;
	s10 =	sld [smem:$0x3FAE];
	_ =	sdelay $0x3  }
0x37: {  	[smem:$0x3FAE] =	sst s10  }
0x38: {  	s10 =	sld [smem:$0x3FAF]  }
0x39: {  	_ = 	snop;
	(pc) =	sbr.ind lr, $3  }
0x3a: {  	_ = 	snop  }
0x3b: {  	_ = 	snop  }
0x3c: {  	p2 =	seq.s32 s10, $0x1;
	s10 =	sld [smem:$0x3FAE]  }
0x3d: {  	_ =	shalt  }
0x3e: {  	_ =	shalt  }
0x3f: {  	_ =	shalt  }
0x40: {  	_ =	shalt  }
0x41: {  	_ =	shalt  }
0x42: {  	_ =	shalt  }
0x43: {  	_ =	shalt  }
0x44: {  	_ =	shalt  }
0x45: {  	_ =	shalt  }
0x46: {  	_ =	shalt  }
0x47: {  	_ =	shalt  }
0x48: {  	_ =	shalt  }
0x49: {  	_ =	shalt  }
0x4a: {  	_ =	shalt  }
0x4b: {  	_ =	shalt  }
0x4c: {  	_ =	shalt  }
0x4d: {  	_ =	shalt  }
0x4e: {  	_ =	shalt  }
0x4f: {  	_ =	shalt  }
0x50: {  	_ =	shalt  }
0x51: {  	_ =	shalt  }
0x52: {  	_ =	shalt  }
0x53: {  	_ =	shalt  }
0x54: {  	_ =	shalt  }
0x55: {  	_ =	shalt  }
0x56: {  	_ =	shalt  }
0x57: {  	_ =	shalt  }
0x58: {  	_ =	shalt  }
0x59: {  	_ =	shalt  }
0x5a: {  	_ =	shalt  }
0x5b: {  	_ =	shalt  }
0x5c: {  	_ =	shalt  }
0x5d: {  	_ =	shalt  }
0x5e: {  	_ =	shalt  }
0x5f: {  	_ =	shalt  }
0x60: {  	_ =	shalt  }
0x61: {  	_ =	shalt  }
0x62: {  	_ =	shalt  }
0x63: {  	_ =	shalt  }
0x64: {  	_ =	shalt  }
0x65: {  	_ =	shalt  }
0x66: {  	_ =	shalt  }
0x67: {  	_ =	shalt  }
0x68: {  	_ =	shalt  }
0x69: {  	_ =	shalt  }
0x6a: {  	_ =	shalt  }
0x6b: {  	_ =	shalt  }
0x6c: {  	_ =	shalt  }
0x6d: {  	_ =	shalt  }
0x6e: {  	_ =	shalt  }
0x6f: {  	_ =	shalt  }
0x70: {  	_ =	shalt  }
0x71: {  	_ =	shalt  }
0x72: {  	_ =	shalt  }
0x73: {  	_ =	shalt  }
0x74: {  	_ =	shalt  }
0x75: {  	_ =	shalt  }
0x76: {  	_ =	shalt  }
0x77: {  	_ =	shalt  }
0x78: {  	_ =	shalt  }
0x79: {  	_ =	shalt  }
0x7a: {  	_ =	shalt  }
0x7b: {  	_ =	shalt  }
0x7c: {  	_ =	shalt  }
0x7d: {  	_ =	shalt  }
0x7e: {  	_ =	shalt  }
0x7f: {  	_ =	shalt  }
0x80: {  	_ =	shalt  }
0x81: {  	_ =	shalt  }
0x82: {  	_ =	shalt  }
0x83: {  	_ =	shalt  }
0x84: {  	_ =	shalt  }
0x85: {  	_ =	shalt  }
0x86: {  	_ =	shalt  }
0x87: {  	_ =	shalt  }
.Lfunc_end0:
.L_simem_size_0:
called_computation.1_lowered:
.L_overlay_start_0:
0x88: {  	s2 =	sld [smem:$0x3FD9]  }
0x89: {  	s3 =	sld [smem:$0x3FFE];
	_ =	sdelay $0x1  }
0x8a: {  	s1 =	srdreg.scid  }
0x8b: {  	s0 =	sand.u32 $0x1, s1  }
0x8c: {  	s16 =	sshll.u32 s0, $0xA;
	s2 =	sadd.s32 s3, s2  }
0x8d: {  	s2 =	sadd.s32 s2, s16  }
0x8e: {  	[smem:$0x3FBA] =	sst s2  }
0x8f: {  	_ = 	snop  }
0x90: {  	(tm) =	ssettm $0x1  }
0x91: {  	s17 =	sld [smem:$0x3FFB];
	_ =	sdelay $0x3  }
0x92: {  	_ =	strace s17  }
0x93: {  	s2 =	sld [smem:$0x3FFC];
	_ =	sdelay $0x3  }
0x94: {  	_ =	strace s2  }
0x95: {  	s2 =	sld [smem:$0x3FFD];
	_ =	sdelay $0x3  }
0x96: {  	_ =	strace s2  }
0x97: {  	_ =	strace $0x8FFFFFFF  }
0x98: {  	s18 =	sld [smem:$0x3FDB];
	_ =	sdelay $0x1  }
0x99: {  	s19 =	simm.s32 $_scs_section_size  }
0x9a: {  	s4 =	simm.s32 $_size__tile_overlayer_lowered;
	s5 =	simm.s32 $_tile_overlayer_lowered  }
0x9b: {  	s22 =	simm.s32 $0x1BFF;
	s21 =	sshll.u32 s5, $0x1;
	s2 =	sadd.s32 s19, s18  }
0x9c: {  	s6 =	simm.s32 $0x0;
	s20 =	sshll.u32 s4, $0x1;
	s4 =	sadd.s32 s21, s2  }
0x9d: {  	[timem:s6], [sflag:s22] =	dma.local [hbm:s4], s20  }
0x9e: {  	_ =	swait.ge [sflag:s22], s20  }
0x9f: {  	s3 =	ssub.s32 $0x0, s20;
	[sflag:s22] =	ssyncset.done $0x0  }
0xa0: {  	[sflag:s22] =	ssyncadd.s32 s3;
	_ =	sdelay $0x1  }
0xa1: {  	s23 =	simm.s32 $0x1B8B  }
0xa2: {  	_ =	swait.ge [sflag:s23], $0x1  }
0xa3: {  	[sflag:s23] =	ssyncset.done $0x0  }
0xa4: {  	s25 =	simm.s32 $0x1B8E;
	s24 =	sld [smem:$0x3FFE];
	[sflag:s23] =	ssyncadd.s32 $0xFFFFFFFF  }
0xa5: {  	s26 =	simm.s32 $execute0_lowered;
	[smem:$0x3FD2] =	sst s25  }
0xa6: {  	s4 =	sshll.u32 s26, $0x1;
	_ =	strace $0x80000049;
	[dreg:$0x1] =	wrdreg $0xFFFFFFFF  }
0xa7: {  	s28 =	simm.s32 $_size_execute0_lowered;
	s2 =	sadd.s32 s2, s4;
	[dreg:$0x0] =	wrdreg $0x0  }
0xa8: {  	s4 =	sshll.u32 s28, $0x1;
	[dreg:$0x2] =	wrdreg s2  }
0xa9: {  	[dreg:$0x3] =	wrdreg s4  }
0xaa: {  	[dreg:$0x4] =	wrdreg $0xC0  }
0xab: {  	_ =	task [dreg:s6], $0x5FFFF  }
0xac: {  	[dreg:$0x1] =	wrdreg $0xFFFFFFFF  }
0xad: {  	[dreg:$0x0] =	wrdreg $0x60  }
0xae: {  	[dreg:$0x2] =	wrdreg s24  }
0xaf: {  	[dreg:$0x3] =	wrdreg $0x9  }
0xb0: {  	_ =	task.clear_ibuf [dreg:s6], $0x4FFFF;
	_ =	strace $0x90000049  }
0xb1: {  	s29 =	simm.s32 $0x9;
	_ =	strace $0x8000004B  }
0xb2: {  	_ =	swait.ge [sflag:s29], $0x1  }
0xb3: {  	[sflag:s29] =	ssyncadd.s32 $0xFFFFFFFF  }
0xb4: {  	_ =	strace $0x9000004B  }
0xb5: {  	_ =	sfence  }
0xb6: {  	s30 =	sld [smem:$0x0];
	_ =	sdelay $0x2  }
0xb7: {  	s31 =	sshll.u32 s1, $0xD;
	s1 =	sshrl.u32 s1, $0x2  }
0xb8: {  	s3 =	sand.u32 $0x4000, s31;
	s1 =	sadd.s32 s1, s30  }
0xb9: {  	s0 =	sor.u32 s3, s0;
	s1 =	sshll.u32 s1, $0x11  }
0xba: {  	s0 =	sor.u32 s1, s0  }
0xbb: {  	s0 =	sadd.s32 $0x8F2B, s0  }
0xbc: {  	[sflag:s0] =	ssyncadd.remote.s32 $0x1  }
0xbd: {  	_ =	sfence.sel $0xFFFF  }
0xbe: {  	[dreg:$0x0] =	wrdreg $0xFFFFFFFF;
	(pc) =	sbr.abs _section_cstart, $3  }
0xbf: {  	[dreg:$0x1] =	wrdreg $0xFFFFFFFF  }
0xc0: {  	_ =	task.clear_ibuf [dreg:s6], $0x2FFFF;
	_ =	strace $0x9FFFFFFF  }
0xc1: {  	(tm) =	ssettm $0x7FFFFFFF  }
tec
execute0_lowered:
.L_overlay_start_1:
0x0: {  	(tag) =	ssettag $0x1  }
0x1: {  	s0 =	srdreg.scid;
	s2 =	stileid.u32  }
0x2: {  	s1 =	rddreg [dreg:$0x0];
	s26 =	simm.s32 $0x80;
	s18 =	simm.s32 $0x1  }
0x3: {  	s19 =	simm.s32 $0x2;
	s28 =	simm.s32 $0x3100;
	s29 =	simm.s32 $0x3900  }
0x4: {  	s30 =	simm.s32 $0x4100;
	s31 =	simm.s32 $0x4900;
	s10 =	simm.s32 $0x6100  }
0x5: {  	s11 =	simm.s32 $0x6900;
	s12 =	simm.s32 $0x7100;
	s13 =	simm.s32 $0x7900  }
0x6: {  	s14 =	simm.s32 $0x8900;
	s15 =	simm.s32 $0x9100;
	s16 =	simm.s32 $0x9900  }
0x7: {  	s17 =	simm.s32 $0xA100;
	s0 =	sand.u32 $0x1, s0;
	s3 =	sshll.u32 s2, $0x7  }
0x8: {  	s2 =	simm.s32 $0x0;
	s6 =	sadd.s32 $0x4800, s1;
	s8 =	sadd.s32 $0x44800, s1  }
0x9: {  	s4 =	sshll.u32 s0, $0x6;
	[smem:$0x7FF] =	sst s2;
	s0 =	ssub.s32 $0x2, s0  }
0xa: {  	s4 =	sor.u32 s4, s3;
	_ =	strace $0x8000004A;
	s7 =	sshrl.u32 s0, $0x1  }
0xb: {  	[dreg:$0x8] =	wrdreg s26;
	s26 =	simm.s32 $0x2900;
	s3 =	sshrl.u32 s4, $0x3  }
0xc: {  	s0 =	ssub.s32 s0, s7;
	s22 =	sshll.u32 s4, $0x7;
	s4 =	sadd.s32 $0x184900, s1  }
0xd: {  	s5 =	sadd.s32 s3, s1;
	s3 =	sadd.s32 $0x184800, s1;
	s23 =	sadd.s32 s6, s22  }
0xe: {  	s9 =	sadd.s32 s8, s22;
	s7 =	sor.u32 $0x1000, s22;
	s22 =	simm.s32 $0x1100  }
0xf: {  	s21 =	sadd.s32 $0x4400, s5;
	s5 =	sadd.s32 $0x4600, s5;
	[dreg:$0x4] =	wrdreg s23  }
0x10: {  	[dreg:$0x5] =	wrdreg s9;
	s24 =	sadd.s32 s6, s7;
	s6 =	sadd.s32 $0x184B00, s1  }
0x11: {  	s25 =	sadd.s32 s8, s7;
	s7 =	smax.u32 s0, $0x1;
	[dreg:$0x2] =	wrdreg s21  }
0x12: {  	v2 =	vlaneseq.u32;
	s8 =	simm.s32 $0x3;
	s23 =	simm.s32 $0x1900;
	[dreg:$0x3] =	wrdreg s5  }
0x13: {  	vm0 =	vmmov $0xffff;
	v1 =	vshrl.u32 v2, $0x3;
	s9 =	simm.s32 $0xA900;
	s5 =	sadd.s32 $0x184A00, s1;
	[dreg:$0x6] =	wrdreg s24  }
0x14: {  	v0 =	vand.u32 $0x7, v2;
	v2 =	vor.u32 $0x8, v2;
	v1 =	vmul.u32 $0x8, v1;
	[dreg:$0x7] =	wrdreg s25;
	s25 =	simm.s32 $0x100;
	s24 =	simm.s32 $0x2100  }
.LBB2_1:
0x15: {  	s20 =	rddreg [dreg:$0x2]  }
0x16: {  	[tilespmem:s2], [sflag:$0x3] =	stream.linear.gather [hbm4b:s20+s2], $0x40, $0x38;
	[tilespmem:$0x10100] =	vst v63  }
0x17: {  	_ =	swait.ge [sflag:s8], $0x40  }
0x18: {  	s1 =	rddreg [dreg:$0x3];
	[sflag:s8] =	ssyncset.done $0x0  }
0x19: {  	s21 =	rddreg [dreg:$0x8];
	[sflag:s8] =	ssyncadd.s32 $0xFFFFFFC0  }
0x1a: {  	[tilespmem:s21], [sflag:$0x3] =	stream.linear.gather [hbm4b:s1+s2], $0x40, $0x38;
	[tilespmem:$0x10100] =	vst v63  }
0x1b: {  	_ =	swait.ge [sflag:s8], $0x40  }
0x1c: {  	[sflag:s8] =	ssyncset.done $0x0  }
0x1d: {  	[sflag:s8] =	ssyncadd.s32 $0xFFFFFFC0  }
0x1e: {  	v3 =	vld [tilespmem:$0x0];
	_ =	sdelay $0x4  }
0x1f: {  	v4 =	vshll.u32 v3, $0x3  }
0x20: {  	v3 =	vand.u32 $0x7, v3;
	v4 =	vand.u32 $0xFFFFFFC0, v4  }
0x21: {  	v3 =	vor.u32 v3, v4  }
0x22: {  	v4 =	vperm.xlane v3, v0;
	_ =	sdelay $0x1  }
0x23: {  	v4 =	vadd.s32 v1, v4;
	_ =	sdelay $0x4  }
0x24: {  	[tilespmem:s25], [sflag:$0x1] =	stream.indirect_vreg.gather [hbm4b:s3+s2], $0x80, v4, vm0, $0xb8;
	[tilespmem:$0x10100] =	vst v63  }
0x25: {  	s21 =	simm.s32 $0x900;
	v3 =	vperm.xlane v3, v2  }
0x26: {  	[tilespmem:s21], [sflag:$0x1] =	stream.indirect_vreg.gather [hbm4b:s4+s2], $0x80, v4, vm0, $0xb8;
	[tilespmem:$0x10100] =	vst v63  }
0x27: {  	v3 =	vadd.s32 v1, v3  }
0x28: {  	[tilespmem:s22], [sflag:$0x1] =	stream.indirect_vreg.gather [hbm4b:s5+s2], $0x80, v4, vm0, $0xb8;
	[tilespmem:$0x10100] =	vst v63  }
0x29: {  	_ = 	snop  }
0x2a: {  	[tilespmem:s23], [sflag:$0x1] =	stream.indirect_vreg.gather [hbm4b:s6+s2], $0x80, v4, vm0, $0xb8;
	[tilespmem:$0x10100] =	vst v63  }
0x2b: {  	_ = 	snop  }
0x2c: {  	[tilespmem:s24], [sflag:$0x1] =	stream.indirect_vreg.gather [hbm4b:s3+s2], $0x80, v3, vm0, $0xb8;
	[tilespmem:$0x10100] =	vst v63  }
0x2d: {  	_ = 	snop  }
0x2e: {  	[tilespmem:s26], [sflag:$0x1] =	stream.indirect_vreg.gather [hbm4b:s4+s2], $0x80, v3, vm0, $0xb8;
	[tilespmem:$0x10100] =	vst v63  }
0x2f: {  	_ = 	snop  }
0x30: {  	[tilespmem:s28], [sflag:$0x1] =	stream.indirect_vreg.gather [hbm4b:s5+s2], $0x80, v3, vm0, $0xb8;
	[tilespmem:$0x10100] =	vst v63  }
0x31: {  	_ = 	snop  }
0x32: {  	[tilespmem:s29], [sflag:$0x1] =	stream.indirect_vreg.gather [hbm4b:s6+s2], $0x80, v3, vm0, $0xb8;
	[tilespmem:$0x10100] =	vst v63  }
0x33: {  	v3 =	vld [tilespmem:$0x10];
	_ =	sdelay $0x4  }
0x34: {  	v57 =	vshll.u32 v3, $0x3  }
0x35: {  	v3 =	vand.u32 $0x7, v3;
	v4 =	vand.u32 $0xFFFFFFC0, v57  }
0x36: {  	v3 =	vor.u32 v3, v4  }
0x37: {  	v4 =	vperm.xlane v3, v0;
	_ =	sdelay $0x1  }
0x38: {  	v4 =	vadd.s32 v1, v4;
	_ =	sdelay $0x4  }
0x39: {  	[tilespmem:s30], [sflag:$0x1] =	stream.indirect_vreg.gather [hbm4b:s3+s2], $0x80, v4, vm0, $0xb8;
	[tilespmem:$0x10100] =	vst v63  }
0x3a: {  	v3 =	vperm.xlane v3, v2  }
0x3b: {  	[tilespmem:s31], [sflag:$0x1] =	stream.indirect_vreg.gather [hbm4b:s4+s2], $0x80, v4, vm0, $0xb8;
	[tilespmem:$0x10100] =	vst v63  }
0x3c: {  	s1 =	simm.s32 $0x5100;
	v3 =	vadd.s32 v1, v3  }
0x3d: {  	[tilespmem:s1], [sflag:$0x1] =	stream.indirect_vreg.gather [hbm4b:s5+s2], $0x80, v4, vm0, $0xb8;
	[tilespmem:$0x10100] =	vst v63  }
0x3e: {  	s0 =	simm.s32 $0x5900  }
0x3f: {  	[tilespmem:s0], [sflag:$0x1] =	stream.indirect_vreg.gather [hbm4b:s6+s2], $0x80, v4, vm0, $0xb8;
	[tilespmem:$0x10100] =	vst v63  }
0x40: {  	_ = 	snop  }
0x41: {  	[tilespmem:s10], [sflag:$0x1] =	stream.indirect_vreg.gather [hbm4b:s3+s2], $0x80, v3, vm0, $0xb8;
	[tilespmem:$0x10100] =	vst v63  }
0x42: {  	_ = 	snop  }
0x43: {  	[tilespmem:s11], [sflag:$0x1] =	stream.indirect_vreg.gather [hbm4b:s4+s2], $0x80, v3, vm0, $0xb8;
	[tilespmem:$0x10100] =	vst v63  }
0x44: {  	_ = 	snop  }
0x45: {  	[tilespmem:s12], [sflag:$0x1] =	stream.indirect_vreg.gather [hbm4b:s5+s2], $0x80, v3, vm0, $0xb8;
	[tilespmem:$0x10100] =	vst v63  }
0x46: {  	_ = 	snop  }
0x47: {  	[tilespmem:s13], [sflag:$0x1] =	stream.indirect_vreg.gather [hbm4b:s6+s2], $0x80, v3, vm0, $0xb8;
	[tilespmem:$0x10100] =	vst v63  }
0x48: {  	v3 =	vld [tilespmem:$0x80];
	_ =	sdelay $0x4  }
0x49: {  	v58 =	vshll.u32 v3, $0x3  }
0x4a: {  	v3 =	vand.u32 $0x7, v3;
	v4 =	vand.u32 $0xFFFFFFC0, v58  }
0x4b: {  	v3 =	vor.u32 v3, v4  }
0x4c: {  	v4 =	vperm.xlane v3, v0;
	_ =	sdelay $0x1  }
0x4d: {  	v4 =	vadd.s32 v1, v4;
	_ =	sdelay $0x3  }
0x4e: {  	s0 =	simm.s32 $0x8100  }
0x4f: {  	[tilespmem:s0], [sflag:$0x2] =	stream.indirect_vreg.gather [hbm4b:s3+s2], $0x80, v4, vm0, $0xb8;
	[tilespmem:$0x10100] =	vst v63  }
0x50: {  	v3 =	vperm.xlane v3, v2  }
0x51: {  	[tilespmem:s14], [sflag:$0x2] =	stream.indirect_vreg.gather [hbm4b:s4+s2], $0x80, v4, vm0, $0xb8;
	[tilespmem:$0x10100] =	vst v63  }
0x52: {  	v3 =	vadd.s32 v1, v3  }
0x53: {  	[tilespmem:s15], [sflag:$0x2] =	stream.indirect_vreg.gather [hbm4b:s5+s2], $0x80, v4, vm0, $0xb8;
	[tilespmem:$0x10100] =	vst v63  }
0x54: {  	_ = 	snop  }
0x55: {  	[tilespmem:s16], [sflag:$0x2] =	stream.indirect_vreg.gather [hbm4b:s6+s2], $0x80, v4, vm0, $0xb8;
	[tilespmem:$0x10100] =	vst v63  }
0x56: {  	_ = 	snop  }
0x57: {  	[tilespmem:s17], [sflag:$0x2] =	stream.indirect_vreg.gather [hbm4b:s3+s2], $0x80, v3, vm0, $0xb8;
	[tilespmem:$0x10100] =	vst v63  }
0x58: {  	_ = 	snop  }
0x59: {  	[tilespmem:s9], [sflag:$0x2] =	stream.indirect_vreg.gather [hbm4b:s4+s2], $0x80, v3, vm0, $0xb8;
	[tilespmem:$0x10100] =	vst v63  }
0x5a: {  	s20 =	simm.s32 $0xB100  }
0x5b: {  	[tilespmem:s20], [sflag:$0x2] =	stream.indirect_vreg.gather [hbm4b:s5+s2], $0x80, v3, vm0, $0xb8;
	[tilespmem:$0x10100] =	vst v63  }
0x5c: {  	s20 =	simm.s32 $0xB900  }
0x5d: {  	[tilespmem:s20], [sflag:$0x2] =	stream.indirect_vreg.gather [hbm4b:s6+s2], $0x80, v3, vm0, $0xb8;
	[tilespmem:$0x10100] =	vst v63  }
0x5e: {  	v3 =	vld [tilespmem:$0x90];
	_ =	sdelay $0x4  }
0x5f: {  	v59 =	vshll.u32 v3, $0x3  }
0x60: {  	v3 =	vand.u32 $0x7, v3;
	v4 =	vand.u32 $0xFFFFFFC0, v59  }
0x61: {  	v3 =	vor.u32 v3, v4  }
0x62: {  	v4 =	vperm.xlane v3, v0;
	_ =	sdelay $0x1  }
0x63: {  	v4 =	vadd.s32 v1, v4;
	_ =	sdelay $0x3  }
0x64: {  	s20 =	simm.s32 $0xC100  }
0x65: {  	[tilespmem:s20], [sflag:$0x2] =	stream.indirect_vreg.gather [hbm4b:s3+s2], $0x80, v4, vm0, $0xb8;
	[tilespmem:$0x10100] =	vst v63  }
0x66: {  	v3 =	vperm.xlane v3, v2;
	s20 =	simm.s32 $0xC900  }
0x67: {  	[tilespmem:s20], [sflag:$0x2] =	stream.indirect_vreg.gather [hbm4b:s4+s2], $0x80, v4, vm0, $0xb8;
	[tilespmem:$0x10100] =	vst v63  }
0x68: {  	v3 =	vadd.s32 v1, v3;
	s20 =	simm.s32 $0xD100  }
0x69: {  	[tilespmem:s20], [sflag:$0x2] =	stream.indirect_vreg.gather [hbm4b:s5+s2], $0x80, v4, vm0, $0xb8;
	[tilespmem:$0x10100] =	vst v63  }
0x6a: {  	s20 =	simm.s32 $0xD900  }
0x6b: {  	[tilespmem:s20], [sflag:$0x2] =	stream.indirect_vreg.gather [hbm4b:s6+s2], $0x80, v4, vm0, $0xb8;
	[tilespmem:$0x10100] =	vst v63  }
0x6c: {  	s20 =	simm.s32 $0xE100  }
0x6d: {  	[tilespmem:s20], [sflag:$0x2] =	stream.indirect_vreg.gather [hbm4b:s3+s2], $0x80, v3, vm0, $0xb8;
	[tilespmem:$0x10100] =	vst v63  }
0x6e: {  	s20 =	simm.s32 $0xE900  }
0x6f: {  	[tilespmem:s20], [sflag:$0x2] =	stream.indirect_vreg.gather [hbm4b:s4+s2], $0x80, v3, vm0, $0xb8;
	[tilespmem:$0x10100] =	vst v63  }
0x70: {  	s20 =	simm.s32 $0xF100  }
0x71: {  	[tilespmem:s20], [sflag:$0x2] =	stream.indirect_vreg.gather [hbm4b:s5+s2], $0x80, v3, vm0, $0xb8;
	[tilespmem:$0x10100] =	vst v63  }
0x72: {  	s20 =	simm.s32 $0xF900  }
0x73: {  	[tilespmem:s20], [sflag:$0x2] =	stream.indirect_vreg.gather [hbm4b:s6+s2], $0x80, v3, vm0, $0xb8;
	[tilespmem:$0x10100] =	vst v63  }
0x74: {  	_ =	swait.ge [sflag:s18], $0x8000  }
0x75: {  	[sflag:s18] =	ssyncset.done $0x0  }
0x76: {  	s20 =	rddreg [dreg:$0x4];
	[sflag:s18] =	ssyncadd.s32 $0xFFFF8000  }
0x77: {  	[hbm4b:s20+s2] =	stream.linear.scatter [tilespmem:s25], [sflag:$0x3], $0x8000, $0x38;
	[tilespmem:$0x10100] =	vst v63  }
0x78: {  	_ =	swait.ge [sflag:s8], $0x8000  }
0x79: {  	[sflag:s8] =	ssyncset.done $0x0  }
0x7a: {  	[sflag:s8] =	ssyncadd.s32 $0xFFFF8000  }
0x7b: {  	_ =	swait.ge [sflag:s19], $0x8000  }
0x7c: {  	[sflag:s19] =	ssyncset.done $0x0  }
0x7d: {  	s20 =	rddreg [dreg:$0x5];
	[sflag:s19] =	ssyncadd.s32 $0xFFFF8000  }
0x7e: {  	[hbm4b:s20+s2] =	stream.linear.scatter [tilespmem:s0], [sflag:$0x3], $0x8000, $0x38;
	[tilespmem:$0x10100] =	vst v63  }
0x7f: {  	_ =	swait.ge [sflag:s8], $0x8000  }
0x80: {  	[sflag:s8] =	ssyncset.done $0x0  }
0x81: {  	[sflag:s8] =	ssyncadd.s32 $0xFFFF8000  }
0x82: {  	v3 =	vld [tilespmem:$0x20];
	_ =	sdelay $0x4  }
0x83: {  	v60 =	vshll.u32 v3, $0x3  }
0x84: {  	v3 =	vand.u32 $0x7, v3;
	v4 =	vand.u32 $0xFFFFFFC0, v60  }
0x85: {  	v3 =	vor.u32 v3, v4  }
0x86: {  	v4 =	vperm.xlane v3, v0;
	_ =	sdelay $0x1  }
0x87: {  	v4 =	vadd.s32 v1, v4;
	_ =	sdelay $0x4  }
0x88: {  	[tilespmem:s25], [sflag:$0x1] =	stream.indirect_vreg.gather [hbm4b:s3+s2], $0x80, v4, vm0, $0xb8;
	[tilespmem:$0x10100] =	vst v63  }
0x89: {  	v3 =	vperm.xlane v3, v2  }
0x8a: {  	[tilespmem:s21], [sflag:$0x1] =	stream.indirect_vreg.gather [hbm4b:s4+s2], $0x80, v4, vm0, $0xb8;
	[tilespmem:$0x10100] =	vst v63  }
0x8b: {  	v3 =	vadd.s32 v1, v3  }
0x8c: {  	[tilespmem:s22], [sflag:$0x1] =	stream.indirect_vreg.gather [hbm4b:s5+s2], $0x80, v4, vm0, $0xb8;
	[tilespmem:$0x10100] =	vst v63  }
0x8d: {  	_ = 	snop  }
0x8e: {  	[tilespmem:s23], [sflag:$0x1] =	stream.indirect_vreg.gather [hbm4b:s6+s2], $0x80, v4, vm0, $0xb8;
	[tilespmem:$0x10100] =	vst v63  }
0x8f: {  	_ = 	snop  }
0x90: {  	[tilespmem:s24], [sflag:$0x1] =	stream.indirect_vreg.gather [hbm4b:s3+s2], $0x80, v3, vm0, $0xb8;
	[tilespmem:$0x10100] =	vst v63  }
0x91: {  	_ = 	snop  }
0x92: {  	[tilespmem:s26], [sflag:$0x1] =	stream.indirect_vreg.gather [hbm4b:s4+s2], $0x80, v3, vm0, $0xb8;
	[tilespmem:$0x10100] =	vst v63  }
0x93: {  	_ = 	snop  }
0x94: {  	[tilespmem:s28], [sflag:$0x1] =	stream.indirect_vreg.gather [hbm4b:s5+s2], $0x80, v3, vm0, $0xb8;
	[tilespmem:$0x10100] =	vst v63  }
0x95: {  	_ = 	snop  }
0x96: {  	[tilespmem:s29], [sflag:$0x1] =	stream.indirect_vreg.gather [hbm4b:s6+s2], $0x80, v3, vm0, $0xb8;
	[tilespmem:$0x10100] =	vst v63  }
0x97: {  	v3 =	vld [tilespmem:$0x30];
	_ =	sdelay $0x4  }
0x98: {  	v61 =	vshll.u32 v3, $0x3  }
0x99: {  	v3 =	vand.u32 $0x7, v3;
	v4 =	vand.u32 $0xFFFFFFC0, v61  }
0x9a: {  	v3 =	vor.u32 v3, v4  }
0x9b: {  	v4 =	vperm.xlane v3, v0;
	_ =	sdelay $0x1  }
0x9c: {  	v4 =	vadd.s32 v1, v4;
	_ =	sdelay $0x4  }
0x9d: {  	[tilespmem:s30], [sflag:$0x1] =	stream.indirect_vreg.gather [hbm4b:s3+s2], $0x80, v4, vm0, $0xb8;
	[tilespmem:$0x10100] =	vst v63  }
0x9e: {  	v3 =	vperm.xlane v3, v2  }
0x9f: {  	[tilespmem:s31], [sflag:$0x1] =	stream.indirect_vreg.gather [hbm4b:s4+s2], $0x80, v4, vm0, $0xb8;
	[tilespmem:$0x10100] =	vst v63  }
0xa0: {  	v3 =	vadd.s32 v1, v3  }
0xa1: {  	[tilespmem:s1], [sflag:$0x1] =	stream.indirect_vreg.gather [hbm4b:s5+s2], $0x80, v4, vm0, $0xb8;
	[tilespmem:$0x10100] =	vst v63  }
0xa2: {  	s21 =	simm.s32 $0x5900  }
0xa3: {  	[tilespmem:s21], [sflag:$0x1] =	stream.indirect_vreg.gather [hbm4b:s6+s2], $0x80, v4, vm0, $0xb8;
	[tilespmem:$0x10100] =	vst v63  }
0xa4: {  	_ = 	snop  }
0xa5: {  	[tilespmem:s10], [sflag:$0x1] =	stream.indirect_vreg.gather [hbm4b:s3+s2], $0x80, v3, vm0, $0xb8;
	[tilespmem:$0x10100] =	vst v63  }
0xa6: {  	_ = 	snop  }
0xa7: {  	[tilespmem:s11], [sflag:$0x1] =	stream.indirect_vreg.gather [hbm4b:s4+s2], $0x80, v3, vm0, $0xb8;
	[tilespmem:$0x10100] =	vst v63  }
0xa8: {  	_ = 	snop  }
0xa9: {  	[tilespmem:s12], [sflag:$0x1] =	stream.indirect_vreg.gather [hbm4b:s5+s2], $0x80, v3, vm0, $0xb8;
	[tilespmem:$0x10100] =	vst v63  }
0xaa: {  	_ = 	snop  }
0xab: {  	[tilespmem:s13], [sflag:$0x1] =	stream.indirect_vreg.gather [hbm4b:s6+s2], $0x80, v3, vm0, $0xb8;
	[tilespmem:$0x10100] =	vst v63  }
0xac: {  	v3 =	vld [tilespmem:$0xA0];
	_ =	sdelay $0x4  }
0xad: {  	v62 =	vshll.u32 v3, $0x3  }
0xae: {  	v3 =	vand.u32 $0x7, v3;
	v4 =	vand.u32 $0xFFFFFFC0, v62  }
0xaf: {  	v3 =	vor.u32 v3, v4  }
0xb0: {  	v4 =	vperm.xlane v3, v0;
	_ =	sdelay $0x1  }
0xb1: {  	v4 =	vadd.s32 v1, v4;
	_ =	sdelay $0x4  }
0xb2: {  	[tilespmem:s0], [sflag:$0x2] =	stream.indirect_vreg.gather [hbm4b:s3+s2], $0x80, v4, vm0, $0xb8;
	[tilespmem:$0x10100] =	vst v63  }
0xb3: {  	v3 =	vperm.xlane v3, v2  }
0xb4: {  	[tilespmem:s14], [sflag:$0x2] =	stream.indirect_vreg.gather [hbm4b:s4+s2], $0x80, v4, vm0, $0xb8;
	[tilespmem:$0x10100] =	vst v63  }
0xb5: {  	v3 =	vadd.s32 v1, v3  }
0xb6: {  	[tilespmem:s15], [sflag:$0x2] =	stream.indirect_vreg.gather [hbm4b:s5+s2], $0x80, v4, vm0, $0xb8;
	[tilespmem:$0x10100] =	vst v63  }
0xb7: {  	_ = 	snop  }
0xb8: {  	[tilespmem:s16], [sflag:$0x2] =	stream.indirect_vreg.gather [hbm4b:s6+s2], $0x80, v4, vm0, $0xb8;
	[tilespmem:$0x10100] =	vst v63  }
0xb9: {  	_ = 	snop  }
0xba: {  	[tilespmem:s17], [sflag:$0x2] =	stream.indirect_vreg.gather [hbm4b:s3+s2], $0x80, v3, vm0, $0xb8;
	[tilespmem:$0x10100] =	vst v63  }
0xbb: {  	_ = 	snop  }
0xbc: {  	[tilespmem:s9], [sflag:$0x2] =	stream.indirect_vreg.gather [hbm4b:s4+s2], $0x80, v3, vm0, $0xb8;
	[tilespmem:$0x10100] =	vst v63  }
0xbd: {  	s20 =	simm.s32 $0xB100  }
0xbe: {  	[tilespmem:s20], [sflag:$0x2] =	stream.indirect_vreg.gather [hbm4b:s5+s2], $0x80, v3, vm0, $0xb8;
	[tilespmem:$0x10100] =	vst v63  }
0xbf: {  	s21 =	simm.s32 $0xB900  }
0xc0: {  	[tilespmem:s21], [sflag:$0x2] =	stream.indirect_vreg.gather [hbm4b:s6+s2], $0x80, v3, vm0, $0xb8;
	[tilespmem:$0x10100] =	vst v63  }
0xc1: {  	v3 =	vld [tilespmem:$0xB0];
	_ =	sdelay $0x4  }
0xc2: {  	v63 =	vshll.u32 v3, $0x3  }
0xc3: {  	v3 =	vand.u32 $0x7, v3;
	v4 =	vand.u32 $0xFFFFFFC0, v63  }
0xc4: {  	v3 =	vor.u32 v3, v4  }
0xc5: {  	v4 =	vperm.xlane v3, v0;
	_ =	sdelay $0x1  }
0xc6: {  	v4 =	vadd.s32 v1, v4;
	_ =	sdelay $0x3  }
0xc7: {  	s20 =	simm.s32 $0xC100  }
0xc8: {  	[tilespmem:s20], [sflag:$0x2] =	stream.indirect_vreg.gather [hbm4b:s3+s2], $0x80, v4, vm0, $0xb8;
	[tilespmem:$0x10100] =	vst v63  }
0xc9: {  	s21 =	simm.s32 $0xC900;
	v3 =	vperm.xlane v3, v2  }
0xca: {  	[tilespmem:s21], [sflag:$0x2] =	stream.indirect_vreg.gather [hbm4b:s4+s2], $0x80, v4, vm0, $0xb8;
	[tilespmem:$0x10100] =	vst v63  }
0xcb: {  	v3 =	vadd.s32 v1, v3;
	s20 =	simm.s32 $0xD100  }
0xcc: {  	[tilespmem:s20], [sflag:$0x2] =	stream.indirect_vreg.gather [hbm4b:s5+s2], $0x80, v4, vm0, $0xb8;
	[tilespmem:$0x10100] =	vst v63  }
0xcd: {  	s21 =	simm.s32 $0xD900  }
0xce: {  	[tilespmem:s21], [sflag:$0x2] =	stream.indirect_vreg.gather [hbm4b:s6+s2], $0x80, v4, vm0, $0xb8;
	[tilespmem:$0x10100] =	vst v63  }
0xcf: {  	s20 =	simm.s32 $0xE100  }
0xd0: {  	[tilespmem:s20], [sflag:$0x2] =	stream.indirect_vreg.gather [hbm4b:s3+s2], $0x80, v3, vm0, $0xb8;
	[tilespmem:$0x10100] =	vst v63  }
0xd1: {  	s21 =	simm.s32 $0xE900  }
0xd2: {  	[tilespmem:s21], [sflag:$0x2] =	stream.indirect_vreg.gather [hbm4b:s4+s2], $0x80, v3, vm0, $0xb8;
	[tilespmem:$0x10100] =	vst v63  }
0xd3: {  	s20 =	simm.s32 $0xF100  }
0xd4: {  	[tilespmem:s20], [sflag:$0x2] =	stream.indirect_vreg.gather [hbm4b:s5+s2], $0x80, v3, vm0, $0xb8;
	[tilespmem:$0x10100] =	vst v63  }
0xd5: {  	s21 =	simm.s32 $0xF900  }
0xd6: {  	[tilespmem:s21], [sflag:$0x2] =	stream.indirect_vreg.gather [hbm4b:s6+s2], $0x80, v3, vm0, $0xb8;
	[tilespmem:$0x10100] =	vst v63  }
0xd7: {  	_ =	swait.ge [sflag:s18], $0x8000  }
0xd8: {  	[sflag:s18] =	ssyncset.done $0x0  }
0xd9: {  	s1 =	rddreg [dreg:$0x6];
	[sflag:s18] =	ssyncadd.s32 $0xFFFF8000  }
0xda: {  	[hbm4b:s1+s2] =	stream.linear.scatter [tilespmem:s25], [sflag:$0x3], $0x8000, $0x38;
	[tilespmem:$0x10100] =	vst v63  }
0xdb: {  	_ =	swait.ge [sflag:s8], $0x8000  }
0xdc: {  	[sflag:s8] =	ssyncset.done $0x0  }
0xdd: {  	[sflag:s8] =	ssyncadd.s32 $0xFFFF8000  }
0xde: {  	_ =	swait.ge [sflag:s19], $0x8000  }
0xdf: {  	p0 =	sne.s32 s7, $0x1;
	[sflag:s19] =	ssyncset.done $0x0  }
.Ltmp0:
0xe0: {  	s21 =	rddreg [dreg:$0x7];
	[sflag:s19] =	ssyncadd.s32 $0xFFFF8000;
	(pc) =	sbr.rel @p0 .LBB2_1-.Ltmp0, $4  }
0xe1: {  	[hbm4b:s21+s2] =	stream.linear.scatter [tilespmem:s0], [sflag:$0x3], $0x8000, $0x38;
	[tilespmem:$0x10100] =	vst v63  }
0xe2: {  	_ =	swait.ge [sflag:s8], $0x8000  }
0xe3: {  	[sflag:s8] =	ssyncset.done $0x0  }
0xe4: {  	s7 =	sadd.s32 $0xFFFFFFFF, s7;
	[sflag:s8] =	ssyncadd.s32 $0xFFFF8000  }
0xe5: {  	_ =	sfence.sel $0x180000  }
0xe6: {  	[bflag:$0x0] =	sbarrier.arrive $0xFFFF  }
0xe7: {  	_ =	strace $0x9000004A  }
0xe8: {  	s0 =	stileid.u32;
	[bflag:$0x2] =	sbarrier.arrive $0xFFFF  }
0xe9: {  	p0 =	sne.s32 s0, $0x0;
	s0 =	rddreg [dreg:$0x1]  }
0xea: {  	s0 =	sadd.s32 @!p0 $0x100000, s0  }
0xeb: {  	[sflag:s0] =	ssyncadd.tile.s32 @!p0 $0x1;
	_ =	shalt  }
.Lfunc_end2:
_tile_overlayer_lowered:
.L_overlay_start_2:
0xec: {  	(tag) =	ssettag $0x2  }
0xed: {  	s0 =	rddreg [dreg:$0x0];
	s2 =	stileid.u32  }
0xee: {  	s1 =	rddreg [dreg:$0x1];
	p0 =	sne.s32 s2, $0x0  }
0xef: {  	s3 =	rddreg [dreg:$0x2];
	[bflag:$0x3] =	sbarrier.arrive $0xFFFF;
	s2 =	simm.s32 @!p0 $0x1C03  }
0xf0: {  	[timem:s3], [sflag:s2] =	dma.local @!p0 [hbm:s0], s1  }
0xf1: {  	s0 =	simm.s32 @!p0 $0x3  }
0xf2: {  	_ =	swait.ge @!p0 [sflag:s0], s1  }
0xf3: {  	s1 =	ssub.s32 @!p0 $0x0, s1;
	[sflag:s0] =	ssyncset.done @!p0 $0x0  }
0xf4: {  	[sflag:s0] =	ssyncadd.s32 @!p0 s1  }
0xf5: {  	[bflag:$0x3] =	sbarrier.arrive $0xFFFF  }
0xf6: {  	_ =	shalt  }

// kernel: kernel.7.cloned.1.call-start
scs
__scs_entry_jumppad:
0x0: {  	(pc) =	sbr.rel $0x88, $3  }
0x1: {  	(tag) =	ssettag $0x0;
	lr =	simm.s32 $0x1  }
0x2: {  	[smem:$0x3F93] =	sst lr;
	_ =	strace $0xD0000000  }
0x3: {  	_ = 	snop  }
0x4: {  	_ = 	snop  }
0x5: {  	_ = 	snop  }
0x6: {  	_ = 	snop  }
0x7: {  	_ = 	snop  }
__scs_overlays_trampoline_lowered:
0x8: {  	[smem:$0x3FA2] =	sst s0  }
0x9: {  	[smem:$0x3FA3] =	sst s1  }
0xa: {  	[smem:$0x3FA4] =	sst s2  }
0xb: {  	[smem:$0x3FA5] =	sst s3  }
0xc: {  	[smem:$0x3FA6] =	sst s4  }
0xd: {  	[smem:$0x3FA7] =	sst s5  }
0xe: {  	[smem:$0x3FA8] =	sst s6  }
0xf: {  	[smem:$0x3FA9] =	sst s7  }
0x10: {  	[smem:$0x3FAA] =	sst s8  }
0x11: {  	[smem:$0x3FAB] =	sst s9;
	s0 =	simm.s32 @!p0 $0x0  }
0x12: {  	s1 =	sld [smem:$0x3F91];
	s0 =	simm.s32 @p0 $0x1  }
0x13: {  	[smem:$0x3FAC] =	sst s0;
	s0 =	simm.s32 @!p1 $0x0  }
0x14: {  	s2 =	sld [smem:$0x3F90];
	s0 =	simm.s32 @p1 $0x1  }
0x15: {  	[smem:$0x3FAD] =	sst s0;
	s0 =	simm.s32 @!p2 $0x0  }
0x16: {  	s3 =	sld [smem:$0x3FDB];
	s0 =	simm.s32 @p2 $0x1  }
0x17: {  	s4 =	simm.s32 $0x1BF5;
	[smem:$0x3FAF] =	sst s0  }
0x18: {  	s0 =	sld [smem:$0x3F92];
	_ =	swait.ge [sflag:s4], $0x0  }
0x19: {  	s7 =	sld [smem:$0x3F93]  }
0x1a: {  	s8 =	sadd.s32 $0xFFFFE003, lr  }
0x1b: {  	s9 =	sadd.s32 $0xFFFFFEF7, lr;
	s5 =	simm.s32 $0xFFFFFFFF;
	p2 =	slt.u32 s8, $0xFFFFF086  }
0x1c: {  	p1 =	slt.u32 s9, $0xF7A;
	s5 =	simm.s32 @!p2 $0x0  }
0x1d: {  	s5 =	simm.s32 @p1 $0x1;
	p0 =	seq.s32 s7, s2  }
0x1e: {  	s7 =	smul.u32 @!p0 $0xF7A, s2;
	p2 =	seq.s32 @!p0 s5, $0x0  }
0x1f: {  	s9 =	smul.u32 $0xF7A, s1;
	s8 =	simm.s32 @!p0 $0x1BF5;
	p2 =	por !p2, p0  }
0x20: {  	[sflag:s8] =	ssyncset.s32 @!p0 $0xFFFFF086;
	s6 =	sadd.s32 @!p0 s3, s7;
	s7 =	simm.s32 @!p0 $0x108  }
0x21: {  	s3 =	sadd.s32 s3, s9;
	s6 =	sadd.s32 @!p0 $0x88, s6;
	s7 =	simm.s32 @p2 $0x1082  }
0x22: {  	[simem:s7], [sflag:s8] =	dma.local @!p0 [hbm:s6], $0xF7A  }
0x23: {  	s9 =	sor.u32 $0xD0000000, s2;
	s6 =	simm.s32 $0x108;
	_ =	swait.ge @!p0 [sflag:s8], $0x0  }
0x24: {  	s3 =	sadd.s32 $0x88, s3;
	s6 =	simm.s32 @!p1 $0x1082;
	[sflag:s4] =	ssyncset.s32 $0xFFFFF086  }
0x25: {  	[simem:s6], [sflag:s4] =	dma.local [hbm:s3], $0xF7A  }
0x26: {  	[smem:$0x3F93] =	sst s1;
	(tag) =	ssettag s2;
	_ =	strace s9  }
0x27: {  	s1 =	sld [smem:$0x3FA3]  }
0x28: {  	s2 =	sld [smem:$0x3FA4]  }
0x29: {  	s4 =	sld [smem:$0x3FA6]  }
0x2a: {  	p0 =	seq.s32 s5, $0x0;
	s5 =	sld [smem:$0x3FA7]  }
0x2b: {  	s6 =	sld [smem:$0x3FA8]  }
0x2c: {  	s7 =	sld [smem:$0x3FA9]  }
0x2d: {  	s3 =	simm.s32 $0x108;
	s8 =	sld [smem:$0x3FAA]  }
0x2e: {  	s3 =	simm.s32 @!p0 $0x1082;
	s9 =	sld [smem:$0x3FAB]  }
0x2f: {  	lr =	sadd.s32 s0, s3;
	s0 =	sld [smem:$0x3FA2]  }
0x30: {  	s3 =	sld [smem:$0x3FA5]  }
0x31: {  	[smem:$0x3FAE] =	sst s10  }
0x32: {  	s10 =	sld [smem:$0x3FAC];
	_ =	sdelay $0x3  }
0x33: {  	p0 =	seq.s32 s10, $0x1;
	s10 =	sld [smem:$0x3FAE];
	_ =	sdelay $0x3  }
0x34: {  	[smem:$0x3FAE] =	sst s10  }
0x35: {  	s10 =	sld [smem:$0x3FAD];
	_ =	sdelay $0x3  }
0x36: {  	p1 =	seq.s32 s10, $0x1;
	s10 =	sld [smem:$0x3FAE];
	_ =	sdelay $0x3  }
0x37: {  	[smem:$0x3FAE] =	sst s10  }
0x38: {  	s10 =	sld [smem:$0x3FAF]  }
0x39: {  	_ = 	snop;
	(pc) =	sbr.ind lr, $3  }
0x3a: {  	_ = 	snop  }
0x3b: {  	_ = 	snop  }
0x3c: {  	p2 =	seq.s32 s10, $0x1;
	s10 =	sld [smem:$0x3FAE]  }
0x3d: {  	_ =	shalt  }
0x3e: {  	_ =	shalt  }
0x3f: {  	_ =	shalt  }
0x40: {  	_ =	shalt  }
0x41: {  	_ =	shalt  }
0x42: {  	_ =	shalt  }
0x43: {  	_ =	shalt  }
0x44: {  	_ =	shalt  }
0x45: {  	_ =	shalt  }
0x46: {  	_ =	shalt  }
0x47: {  	_ =	shalt  }
0x48: {  	_ =	shalt  }
0x49: {  	_ =	shalt  }
0x4a: {  	_ =	shalt  }
0x4b: {  	_ =	shalt  }
0x4c: {  	_ =	shalt  }
0x4d: {  	_ =	shalt  }
0x4e: {  	_ =	shalt  }
0x4f: {  	_ =	shalt  }
0x50: {  	_ =	shalt  }
0x51: {  	_ =	shalt  }
0x52: {  	_ =	shalt  }
0x53: {  	_ =	shalt  }
0x54: {  	_ =	shalt  }
0x55: {  	_ =	shalt  }
0x56: {  	_ =	shalt  }
0x57: {  	_ =	shalt  }
0x58: {  	_ =	shalt  }
0x59: {  	_ =	shalt  }
0x5a: {  	_ =	shalt  }
0x5b: {  	_ =	shalt  }
0x5c: {  	_ =	shalt  }
0x5d: {  	_ =	shalt  }
0x5e: {  	_ =	shalt  }
0x5f: {  	_ =	shalt  }
0x60: {  	_ =	shalt  }
0x61: {  	_ =	shalt  }
0x62: {  	_ =	shalt  }
0x63: {  	_ =	shalt  }
0x64: {  	_ =	shalt  }
0x65: {  	_ =	shalt  }
0x66: {  	_ =	shalt  }
0x67: {  	_ =	shalt  }
0x68: {  	_ =	shalt  }
0x69: {  	_ =	shalt  }
0x6a: {  	_ =	shalt  }
0x6b: {  	_ =	shalt  }
0x6c: {  	_ =	shalt  }
0x6d: {  	_ =	shalt  }
0x6e: {  	_ =	shalt  }
0x6f: {  	_ =	shalt  }
0x70: {  	_ =	shalt  }
0x71: {  	_ =	shalt  }
0x72: {  	_ =	shalt  }
0x73: {  	_ =	shalt  }
0x74: {  	_ =	shalt  }
0x75: {  	_ =	shalt  }
0x76: {  	_ =	shalt  }
0x77: {  	_ =	shalt  }
0x78: {  	_ =	shalt  }
0x79: {  	_ =	shalt  }
0x7a: {  	_ =	shalt  }
0x7b: {  	_ =	shalt  }
0x7c: {  	_ =	shalt  }
0x7d: {  	_ =	shalt  }
0x7e: {  	_ =	shalt  }
0x7f: {  	_ =	shalt  }
0x80: {  	_ =	shalt  }
0x81: {  	_ =	shalt  }
0x82: {  	_ =	shalt  }
0x83: {  	_ =	shalt  }
0x84: {  	_ =	shalt  }
0x85: {  	_ =	shalt  }
0x86: {  	_ =	shalt  }
0x87: {  	_ =	shalt  }
.Lfunc_end0:
.L_simem_size_0:
called_computation_lowered:
.L_overlay_start_0:
0x88: {  	s2 =	sld [smem:$0x3FD9]  }
0x89: {  	s3 =	sld [smem:$0x3FFE];
	_ =	sdelay $0x1  }
0x8a: {  	s1 =	srdreg.scid  }
0x8b: {  	s0 =	sand.u32 $0x1, s1  }
0x8c: {  	s17 =	sshll.u32 s0, $0xA;
	s2 =	sadd.s32 s3, s2  }
0x8d: {  	s2 =	sadd.s32 s2, s17  }
0x8e: {  	[smem:$0x3FBA] =	sst s2  }
0x8f: {  	_ = 	snop  }
0x90: {  	s2 =	sld [smem:$0x3FC9];
	(tm) =	ssettm $0x1  }
0x91: {  	s18 =	sld [smem:$0x3FFB];
	_ =	sdelay $0x3  }
0x92: {  	_ =	strace s18  }
0x93: {  	s3 =	sld [smem:$0x3FFC];
	_ =	sdelay $0x3  }
0x94: {  	_ =	strace s3  }
0x95: {  	s3 =	sld [smem:$0x3FFD];
	_ =	sdelay $0x3  }
0x96: {  	_ =	strace s3  }
0x97: {  	_ =	strace $0x8FFFFFFF  }
0x98: {  	s19 =	sld [smem:$0x3FDB];
	_ =	sdelay $0x1  }
0x99: {  	s4 =	simm.s32 $_scs_section_size  }
0x9a: {  	s5 =	simm.s32 $_size__tile_overlayer_lowered;
	s6 =	simm.s32 $_tile_overlayer_lowered  }
0x9b: {  	s22 =	simm.s32 $0x1BFF;
	s21 =	sshll.u32 s6, $0x1;
	s3 =	sadd.s32 s4, s19  }
0x9c: {  	s7 =	simm.s32 $0x0;
	s20 =	sshll.u32 s5, $0x1;
	s5 =	sadd.s32 s21, s3  }
0x9d: {  	[timem:s7], [sflag:s22] =	dma.local [hbm:s5], s20  }
0x9e: {  	_ =	swait.ge [sflag:s22], s20  }
0x9f: {  	s4 =	ssub.s32 $0x0, s20;
	[sflag:s22] =	ssyncset.done $0x0  }
0xa0: {  	[sflag:s22] =	ssyncadd.s32 s4;
	_ =	sdelay $0x1  }
0xa1: {  	s23 =	simm.s32 $0x1B8B  }
0xa2: {  	_ =	swait.ge [sflag:s23], $0x1  }
0xa3: {  	[sflag:s23] =	ssyncset.done $0x0  }
0xa4: {  	s25 =	simm.s32 $0x1B8E;
	s24 =	sld [smem:$0x3FFE];
	[sflag:s23] =	ssyncadd.s32 $0xFFFFFFFF  }
0xa5: {  	s26 =	simm.s32 $execute0_lowered;
	[smem:$0x3FD2] =	sst s25  }
0xa6: {  	s5 =	sshll.u32 s26, $0x1;
	_ =	strace $0x80000046;
	[dreg:$0x1] =	wrdreg $0xFFFFFFFF  }
0xa7: {  	s28 =	simm.s32 $_size_execute0_lowered;
	s3 =	sadd.s32 s3, s5;
	[dreg:$0x0] =	wrdreg $0x0  }
0xa8: {  	s5 =	sshll.u32 s28, $0x1;
	[dreg:$0x2] =	wrdreg s3  }
0xa9: {  	[dreg:$0x3] =	wrdreg s5  }
0xaa: {  	[dreg:$0x4] =	wrdreg $0xC0  }
0xab: {  	_ =	task [dreg:s7], $0x5FFFF  }
0xac: {  	[dreg:$0x1] =	wrdreg $0xFFFFFFFF  }
0xad: {  	[dreg:$0x0] =	wrdreg $0x60  }
0xae: {  	[dreg:$0x2] =	wrdreg s24  }
0xaf: {  	[dreg:$0x3] =	wrdreg s2  }
0xb0: {  	[dreg:$0x4] =	wrdreg $0x9  }
0xb1: {  	_ =	task.clear_ibuf [dreg:s7], $0x5FFFF;
	_ =	strace $0x90000046  }
0xb2: {  	s29 =	simm.s32 $0x9;
	_ =	strace $0x80000048  }
0xb3: {  	_ =	swait.ge [sflag:s29], $0x1  }
0xb4: {  	[sflag:s29] =	ssyncadd.s32 $0xFFFFFFFF  }
0xb5: {  	_ =	strace $0x90000048  }
0xb6: {  	_ =	sfence  }
0xb7: {  	s30 =	sld [smem:$0x0];
	_ =	sdelay $0x2  }
0xb8: {  	s31 =	sshll.u32 s1, $0xD;
	s1 =	sshrl.u32 s1, $0x2  }
0xb9: {  	s3 =	sand.u32 $0x4000, s31;
	s1 =	sadd.s32 s1, s30  }
0xba: {  	s0 =	sor.u32 s3, s0;
	s1 =	sshll.u32 s1, $0x11  }
0xbb: {  	s0 =	sor.u32 s1, s0  }
0xbc: {  	s0 =	sadd.s32 $0x8F2B, s0  }
0xbd: {  	[sflag:s0] =	ssyncadd.remote.s32 $0x1  }
0xbe: {  	_ =	sfence.sel $0xFFFF  }
0xbf: {  	[dreg:$0x0] =	wrdreg $0xFFFFFFFF;
	(pc) =	sbr.abs _section_cstart, $3  }
0xc0: {  	[dreg:$0x1] =	wrdreg $0xFFFFFFFF  }
0xc1: {  	_ =	task.clear_ibuf [dreg:s7], $0x2FFFF;
	_ =	strace $0x9FFFFFFF  }
0xc2: {  	(tm) =	ssettm $0x7FFFFFFF  }
0xc3: {  	_ =	shalt  }
tec
execute0_lowered:
.L_overlay_start_1:
0x0: {  	(tag) =	ssettag $0x1  }
0x1: {  	s0 =	srdreg.scid  }
0x2: {  	s1 =	rddreg [dreg:$0x0];
	s2 =	stileid.u32  }
0x3: {  	s4 =	rddreg [dreg:$0x1];
	s26 =	simm.s32 $0x80;
	s18 =	simm.s32 $0x100  }
0x4: {  	s22 =	simm.s32 $0x1900;
	s23 =	simm.s32 $0x2100;
	s24 =	simm.s32 $0x2900  }
0x5: {  	s25 =	simm.s32 $0x3100;
	s28 =	simm.s32 $0x4100;
	s29 =	simm.s32 $0x4900  }
0x6: {  	s30 =	simm.s32 $0x5100;
	s31 =	simm.s32 $0x5900;
	s10 =	simm.s32 $0x7100  }
0x7: {  	s11 =	simm.s32 $0x7900;
	s12 =	simm.s32 $0x8100;
	s13 =	simm.s32 $0x8900  }
0x8: {  	s14 =	simm.s32 $0x9100;
	s15 =	simm.s32 $0x9900;
	s16 =	simm.s32 $0xA100  }
0x9: {  	s17 =	simm.s32 $0xA900;
	s9 =	simm.s32 $0xB100;
	s19 =	simm.s32 $0xB900  }
0xa: {  	s0 =	sand.u32 $0x1, s0;
	s3 =	sshll.u32 s2, $0x7;
	s2 =	simm.s32 $0x0  }
0xb: {  	s5 =	sshll.u32 s0, $0x6;
	[smem:$0x7FF] =	sst s2;
	s0 =	ssub.s32 $0x2, s0  }
0xc: {  	s5 =	sor.u32 s5, s3;
	_ =	strace $0x80000047;
	s7 =	sshrl.u32 s0, $0x1  }
0xd: {  	[dreg:$0x6] =	wrdreg s26;
	s26 =	simm.s32 $0x3900;
	s3 =	sshrl.u32 s5, $0x3  }
0xe: {  	s5 =	sshll.u32 s5, $0x7;
	s0 =	ssub.s32 s0, s7;
	s6 =	sadd.s32 s3, s1  }
0xf: {  	s3 =	sadd.s32 $0x4800, s1;
	s4 =	sadd.s32 s4, s5;
	s5 =	sadd.s32 $0x4A00, s1  }
0x10: {  	v2 =	vlaneseq.u32;
	s7 =	smax.u32 s0, $0x1;
	s8 =	sadd.s32 $0x4400, s6;
	[dreg:$0x5] =	wrdreg s4  }
0x11: {  	vm0 =	vmmov $0xffff;
	v1 =	vshrl.u32 v2, $0x3;
	s6 =	sadd.s32 $0x4600, s6;
	s4 =	sadd.s32 $0x4900, s1;
	[dreg:$0x3] =	wrdreg s8  }
0x12: {  	v0 =	vand.u32 $0x7, v2;
	v2 =	vor.u32 $0x8, v2;
	v1 =	vmul.u32 $0x8, v1;
	[dreg:$0x4] =	wrdreg s6;
	s6 =	sadd.s32 $0x4B00, s1;
	s8 =	simm.s32 $0x3  }
.LBB2_1:
0x13: {  	s20 =	rddreg [dreg:$0x3]  }
0x14: {  	[tilespmem:s2], [sflag:$0x3] =	stream.linear.gather [hbm4b:s20+s2], $0x40, $0x38;
	[tilespmem:$0x10100] =	vst v63  }
0x15: {  	_ =	swait.ge [sflag:s8], $0x40  }
0x16: {  	s0 =	rddreg [dreg:$0x4];
	[sflag:s8] =	ssyncset.done $0x0  }
0x17: {  	s21 =	rddreg [dreg:$0x6];
	[sflag:s8] =	ssyncadd.s32 $0xFFFFFFC0  }
0x18: {  	[tilespmem:s21], [sflag:$0x3] =	stream.linear.gather [hbm4b:s0+s2], $0x40, $0x38;
	[tilespmem:$0x10100] =	vst v63  }
0x19: {  	_ =	swait.ge [sflag:s8], $0x40  }
0x1a: {  	[sflag:s8] =	ssyncset.done $0x0  }
0x1b: {  	s1 =	rddreg [dreg:$0x5];
	[sflag:s8] =	ssyncadd.s32 $0xFFFFFFC0  }
0x1c: {  	[tilespmem:s18], [sflag:$0x3] =	stream.linear.gather [hbm4b:s1+s2], $0x10000, $0x38;
	[tilespmem:$0x10100] =	vst v63  }
0x1d: {  	_ =	swait.ge [sflag:s8], $0x10000  }
0x1e: {  	[sflag:s8] =	ssyncset.done $0x0  }
0x1f: {  	[sflag:s8] =	ssyncadd.s32 $0xFFFF0000  }
0x20: {  	v3 =	vld [tilespmem:$0x0];
	_ =	sdelay $0x4  }
0x21: {  	v4 =	vshll.u32 v3, $0x3  }
0x22: {  	v3 =	vand.u32 $0x7, v3;
	v4 =	vand.u32 $0xFFFFFFC0, v4  }
0x23: {  	v3 =	vor.u32 v3, v4  }
0x24: {  	v4 =	vperm.xlane v3, v0;
	_ =	sdelay $0x1  }
0x25: {  	v4 =	vadd.s32 v1, v4;
	_ =	sdelay $0x4  }
0x26: {  	[hbm4b:s3+s2] =	stream.indirect_vreg.scatter [tilespmem:s18], [sflag:$0x1], $0x80, v4, vm0, $0xb8;
	[tilespmem:$0x10100] =	vst v63  }
0x27: {  	s20 =	simm.s32 $0x900;
	v3 =	vperm.xlane v3, v2  }
0x28: {  	[hbm4b:s4+s2] =	stream.indirect_vreg.scatter [tilespmem:s20], [sflag:$0x1], $0x80, v4, vm0, $0xb8;
	[tilespmem:$0x10100] =	vst v63  }
0x29: {  	s21 =	simm.s32 $0x1100;
	v3 =	vadd.s32 v1, v3  }
0x2a: {  	[hbm4b:s5+s2] =	stream.indirect_vreg.scatter [tilespmem:s21], [sflag:$0x1], $0x80, v4, vm0, $0xb8;
	[tilespmem:$0x10100] =	vst v63  }
0x2b: {  	_ = 	snop  }
0x2c: {  	[hbm4b:s6+s2] =	stream.indirect_vreg.scatter [tilespmem:s22], [sflag:$0x1], $0x80, v4, vm0, $0xb8;
	[tilespmem:$0x10100] =	vst v63  }
0x2d: {  	_ = 	snop  }
0x2e: {  	[hbm4b:s3+s2] =	stream.indirect_vreg.scatter [tilespmem:s23], [sflag:$0x1], $0x80, v3, vm0, $0xb8;
	[tilespmem:$0x10100] =	vst v63  }
0x2f: {  	_ = 	snop  }
0x30: {  	[hbm4b:s4+s2] =	stream.indirect_vreg.scatter [tilespmem:s24], [sflag:$0x1], $0x80, v3, vm0, $0xb8;
	[tilespmem:$0x10100] =	vst v63  }
0x31: {  	_ = 	snop  }
0x32: {  	[hbm4b:s5+s2] =	stream.indirect_vreg.scatter [tilespmem:s25], [sflag:$0x1], $0x80, v3, vm0, $0xb8;
	[tilespmem:$0x10100] =	vst v63  }
0x33: {  	_ = 	snop  }
0x34: {  	[hbm4b:s6+s2] =	stream.indirect_vreg.scatter [tilespmem:s26], [sflag:$0x1], $0x80, v3, vm0, $0xb8;
	[tilespmem:$0x10100] =	vst v63  }
0x35: {  	v3 =	vld [tilespmem:$0x10];
	_ =	sdelay $0x4  }
0x36: {  	v57 =	vshll.u32 v3, $0x3  }
0x37: {  	v3 =	vand.u32 $0x7, v3;
	v4 =	vand.u32 $0xFFFFFFC0, v57  }
0x38: {  	v3 =	vor.u32 v3, v4  }
0x39: {  	v4 =	vperm.xlane v3, v0;
	_ =	sdelay $0x1  }
0x3a: {  	v4 =	vadd.s32 v1, v4;
	_ =	sdelay $0x4  }
0x3b: {  	[hbm4b:s3+s2] =	stream.indirect_vreg.scatter [tilespmem:s28], [sflag:$0x1], $0x80, v4, vm0, $0xb8;
	[tilespmem:$0x10100] =	vst v63  }
0x3c: {  	v3 =	vperm.xlane v3, v2  }
0x3d: {  	[hbm4b:s4+s2] =	stream.indirect_vreg.scatter [tilespmem:s29], [sflag:$0x1], $0x80, v4, vm0, $0xb8;
	[tilespmem:$0x10100] =	vst v63  }
0x3e: {  	v3 =	vadd.s32 v1, v3  }
0x3f: {  	[hbm4b:s5+s2] =	stream.indirect_vreg.scatter [tilespmem:s30], [sflag:$0x1], $0x80, v4, vm0, $0xb8;
	[tilespmem:$0x10100] =	vst v63  }
0x40: {  	_ = 	snop  }
0x41: {  	[hbm4b:s6+s2] =	stream.indirect_vreg.scatter [tilespmem:s31], [sflag:$0x1], $0x80, v4, vm0, $0xb8;
	[tilespmem:$0x10100] =	vst v63  }
0x42: {  	s1 =	simm.s32 $0x6100  }
0x43: {  	[hbm4b:s3+s2] =	stream.indirect_vreg.scatter [tilespmem:s1], [sflag:$0x1], $0x80, v3, vm0, $0xb8;
	[tilespmem:$0x10100] =	vst v63  }
0x44: {  	s0 =	simm.s32 $0x6900  }
0x45: {  	[hbm4b:s4+s2] =	stream.indirect_vreg.scatter [tilespmem:s0], [sflag:$0x1], $0x80, v3, vm0, $0xb8;
	[tilespmem:$0x10100] =	vst v63  }
0x46: {  	_ = 	snop  }
0x47: {  	[hbm4b:s5+s2] =	stream.indirect_vreg.scatter [tilespmem:s10], [sflag:$0x1], $0x80, v3, vm0, $0xb8;
	[tilespmem:$0x10100] =	vst v63  }
0x48: {  	_ = 	snop  }
0x49: {  	[hbm4b:s6+s2] =	stream.indirect_vreg.scatter [tilespmem:s11], [sflag:$0x1], $0x80, v3, vm0, $0xb8;
	[tilespmem:$0x10100] =	vst v63  }
0x4a: {  	v3 =	vld [tilespmem:$0x20];
	_ =	sdelay $0x4  }
0x4b: {  	v58 =	vshll.u32 v3, $0x3  }
0x4c: {  	v3 =	vand.u32 $0x7, v3;
	v4 =	vand.u32 $0xFFFFFFC0, v58  }
0x4d: {  	v3 =	vor.u32 v3, v4  }
0x4e: {  	v4 =	vperm.xlane v3, v0;
	_ =	sdelay $0x1  }
0x4f: {  	v4 =	vadd.s32 v1, v4;
	_ =	sdelay $0x4  }
0x50: {  	[hbm4b:s3+s2] =	stream.indirect_vreg.scatter [tilespmem:s12], [sflag:$0x1], $0x80, v4, vm0, $0xb8;
	[tilespmem:$0x10100] =	vst v63  }
0x51: {  	v3 =	vperm.xlane v3, v2  }
0x52: {  	[hbm4b:s4+s2] =	stream.indirect_vreg.scatter [tilespmem:s13], [sflag:$0x1], $0x80, v4, vm0, $0xb8;
	[tilespmem:$0x10100] =	vst v63  }
0x53: {  	v3 =	vadd.s32 v1, v3  }
0x54: {  	[hbm4b:s5+s2] =	stream.indirect_vreg.scatter [tilespmem:s14], [sflag:$0x1], $0x80, v4, vm0, $0xb8;
	[tilespmem:$0x10100] =	vst v63  }
0x55: {  	_ = 	snop  }
0x56: {  	[hbm4b:s6+s2] =	stream.indirect_vreg.scatter [tilespmem:s15], [sflag:$0x1], $0x80, v4, vm0, $0xb8;
	[tilespmem:$0x10100] =	vst v63  }
0x57: {  	_ = 	snop  }
0x58: {  	[hbm4b:s3+s2] =	stream.indirect_vreg.scatter [tilespmem:s16], [sflag:$0x1], $0x80, v3, vm0, $0xb8;
	[tilespmem:$0x10100] =	vst v63  }
0x59: {  	_ = 	snop  }
0x5a: {  	[hbm4b:s4+s2] =	stream.indirect_vreg.scatter [tilespmem:s17], [sflag:$0x1], $0x80, v3, vm0, $0xb8;
	[tilespmem:$0x10100] =	vst v63  }
0x5b: {  	_ = 	snop  }
0x5c: {  	[hbm4b:s5+s2] =	stream.indirect_vreg.scatter [tilespmem:s9], [sflag:$0x1], $0x80, v3, vm0, $0xb8;
	[tilespmem:$0x10100] =	vst v63  }
0x5d: {  	_ = 	snop  }
0x5e: {  	[hbm4b:s6+s2] =	stream.indirect_vreg.scatter [tilespmem:s19], [sflag:$0x1], $0x80, v3, vm0, $0xb8;
	[tilespmem:$0x10100] =	vst v63  }
0x5f: {  	v3 =	vld [tilespmem:$0x30];
	_ =	sdelay $0x4  }
0x60: {  	v59 =	vshll.u32 v3, $0x3  }
0x61: {  	v3 =	vand.u32 $0x7, v3;
	v4 =	vand.u32 $0xFFFFFFC0, v59  }
0x62: {  	v3 =	vor.u32 v3, v4  }
0x63: {  	v4 =	vperm.xlane v3, v0;
	_ =	sdelay $0x1  }
0x64: {  	v4 =	vadd.s32 v1, v4;
	_ =	sdelay $0x3  }
0x65: {  	s0 =	simm.s32 $0xC100  }
0x66: {  	[hbm4b:s3+s2] =	stream.indirect_vreg.scatter [tilespmem:s0], [sflag:$0x1], $0x80, v4, vm0, $0xb8;
	[tilespmem:$0x10100] =	vst v63  }
0x67: {  	v3 =	vperm.xlane v3, v2;
	s0 =	simm.s32 $0xC900  }
0x68: {  	[hbm4b:s4+s2] =	stream.indirect_vreg.scatter [tilespmem:s0], [sflag:$0x1], $0x80, v4, vm0, $0xb8;
	[tilespmem:$0x10100] =	vst v63  }
0x69: {  	v3 =	vadd.s32 v1, v3;
	s0 =	simm.s32 $0xD100  }
0x6a: {  	[hbm4b:s5+s2] =	stream.indirect_vreg.scatter [tilespmem:s0], [sflag:$0x1], $0x80, v4, vm0, $0xb8;
	[tilespmem:$0x10100] =	vst v63  }
0x6b: {  	s0 =	simm.s32 $0xD900  }
0x6c: {  	[hbm4b:s6+s2] =	stream.indirect_vreg.scatter [tilespmem:s0], [sflag:$0x1], $0x80, v4, vm0, $0xb8;
	[tilespmem:$0x10100] =	vst v63  }
0x6d: {  	s0 =	simm.s32 $0xE100  }
0x6e: {  	[hbm4b:s3+s2] =	stream.indirect_vreg.scatter [tilespmem:s0], [sflag:$0x1], $0x80, v3, vm0, $0xb8;
	[tilespmem:$0x10100] =	vst v63  }
0x6f: {  	s0 =	simm.s32 $0xE900  }
0x70: {  	[hbm4b:s4+s2] =	stream.indirect_vreg.scatter [tilespmem:s0], [sflag:$0x1], $0x80, v3, vm0, $0xb8;
	[tilespmem:$0x10100] =	vst v63  }
0x71: {  	s0 =	simm.s32 $0xF100  }
0x72: {  	[hbm4b:s5+s2] =	stream.indirect_vreg.scatter [tilespmem:s0], [sflag:$0x1], $0x80, v3, vm0, $0xb8;
	[tilespmem:$0x10100] =	vst v63  }
0x73: {  	s0 =	simm.s32 $0xF900  }
0x74: {  	[hbm4b:s6+s2] =	stream.indirect_vreg.scatter [tilespmem:s0], [sflag:$0x1], $0x80, v3, vm0, $0xb8;
	[tilespmem:$0x10100] =	vst v63  }
0x75: {  	v3 =	vld [tilespmem:$0x80];
	_ =	sdelay $0x4  }
0x76: {  	v60 =	vshll.u32 v3, $0x3  }
0x77: {  	v3 =	vand.u32 $0x7, v3;
	v4 =	vand.u32 $0xFFFFFFC0, v60  }
0x78: {  	v3 =	vor.u32 v3, v4  }
0x79: {  	v4 =	vperm.xlane v3, v0;
	_ =	sdelay $0x1  }
0x7a: {  	v4 =	vadd.s32 v1, v4;
	_ =	sdelay $0x4  }
0x7b: {  	[hbm4b:s3+s2] =	stream.indirect_vreg.scatter [tilespmem:s18], [sflag:$0x2], $0x80, v4, vm0, $0xb8;
	[tilespmem:$0x10100] =	vst v63  }
0x7c: {  	v3 =	vperm.xlane v3, v2  }
0x7d: {  	[hbm4b:s4+s2] =	stream.indirect_vreg.scatter [tilespmem:s20], [sflag:$0x2], $0x80, v4, vm0, $0xb8;
	[tilespmem:$0x10100] =	vst v63  }
0x7e: {  	v3 =	vadd.s32 v1, v3  }
0x7f: {  	[hbm4b:s5+s2] =	stream.indirect_vreg.scatter [tilespmem:s21], [sflag:$0x2], $0x80, v4, vm0, $0xb8;
	[tilespmem:$0x10100] =	vst v63  }
0x80: {  	_ = 	snop  }
0x81: {  	[hbm4b:s6+s2] =	stream.indirect_vreg.scatter [tilespmem:s22], [sflag:$0x2], $0x80, v4, vm0, $0xb8;
	[tilespmem:$0x10100] =	vst v63  }
0x82: {  	_ = 	snop  }
0x83: {  	[hbm4b:s3+s2] =	stream.indirect_vreg.scatter [tilespmem:s23], [sflag:$0x2], $0x80, v3, vm0, $0xb8;
	[tilespmem:$0x10100] =	vst v63  }
0x84: {  	_ = 	snop  }
0x85: {  	[hbm4b:s4+s2] =	stream.indirect_vreg.scatter [tilespmem:s24], [sflag:$0x2], $0x80, v3, vm0, $0xb8;
	[tilespmem:$0x10100] =	vst v63  }
0x86: {  	_ = 	snop  }
0x87: {  	[hbm4b:s5+s2] =	stream.indirect_vreg.scatter [tilespmem:s25], [sflag:$0x2], $0x80, v3, vm0, $0xb8;
	[tilespmem:$0x10100] =	vst v63  }
0x88: {  	_ = 	snop  }
0x89: {  	[hbm4b:s6+s2] =	stream.indirect_vreg.scatter [tilespmem:s26], [sflag:$0x2], $0x80, v3, vm0, $0xb8;
	[tilespmem:$0x10100] =	vst v63  }
0x8a: {  	v3 =	vld [tilespmem:$0x90];
	_ =	sdelay $0x4  }
0x8b: {  	v61 =	vshll.u32 v3, $0x3  }
0x8c: {  	v3 =	vand.u32 $0x7, v3;
	v4 =	vand.u32 $0xFFFFFFC0, v61  }
0x8d: {  	v3 =	vor.u32 v3, v4  }
0x8e: {  	v4 =	vperm.xlane v3, v0;
	_ =	sdelay $0x1  }
0x8f: {  	v4 =	vadd.s32 v1, v4;
	_ =	sdelay $0x4  }
0x90: {  	[hbm4b:s3+s2] =	stream.indirect_vreg.scatter [tilespmem:s28], [sflag:$0x2], $0x80, v4, vm0, $0xb8;
	[tilespmem:$0x10100] =	vst v63  }
0x91: {  	v3 =	vperm.xlane v3, v2  }
0x92: {  	[hbm4b:s4+s2] =	stream.indirect_vreg.scatter [tilespmem:s29], [sflag:$0x2], $0x80, v4, vm0, $0xb8;
	[tilespmem:$0x10100] =	vst v63  }
0x93: {  	v3 =	vadd.s32 v1, v3  }
0x94: {  	[hbm4b:s5+s2] =	stream.indirect_vreg.scatter [tilespmem:s30], [sflag:$0x2], $0x80, v4, vm0, $0xb8;
	[tilespmem:$0x10100] =	vst v63  }
0x95: {  	_ = 	snop  }
0x96: {  	[hbm4b:s6+s2] =	stream.indirect_vreg.scatter [tilespmem:s31], [sflag:$0x2], $0x80, v4, vm0, $0xb8;
	[tilespmem:$0x10100] =	vst v63  }
0x97: {  	_ = 	snop  }
0x98: {  	[hbm4b:s3+s2] =	stream.indirect_vreg.scatter [tilespmem:s1], [sflag:$0x2], $0x80, v3, vm0, $0xb8;
	[tilespmem:$0x10100] =	vst v63  }
0x99: {  	s20 =	simm.s32 $0x6900  }
0x9a: {  	[hbm4b:s4+s2] =	stream.indirect_vreg.scatter [tilespmem:s20], [sflag:$0x2], $0x80, v3, vm0, $0xb8;
	[tilespmem:$0x10100] =	vst v63  }
0x9b: {  	_ = 	snop  }
0x9c: {  	[hbm4b:s5+s2] =	stream.indirect_vreg.scatter [tilespmem:s10], [sflag:$0x2], $0x80, v3, vm0, $0xb8;
	[tilespmem:$0x10100] =	vst v63  }
0x9d: {  	_ = 	snop  }
0x9e: {  	[hbm4b:s6+s2] =	stream.indirect_vreg.scatter [tilespmem:s11], [sflag:$0x2], $0x80, v3, vm0, $0xb8;
	[tilespmem:$0x10100] =	vst v63  }
0x9f: {  	v3 =	vld [tilespmem:$0xA0];
	_ =	sdelay $0x4  }
0xa0: {  	v62 =	vshll.u32 v3, $0x3  }
0xa1: {  	v3 =	vand.u32 $0x7, v3;
	v4 =	vand.u32 $0xFFFFFFC0, v62  }
0xa2: {  	v3 =	vor.u32 v3, v4  }
0xa3: {  	v4 =	vperm.xlane v3, v0;
	_ =	sdelay $0x1  }
0xa4: {  	v4 =	vadd.s32 v1, v4;
	_ =	sdelay $0x4  }
0xa5: {  	[hbm4b:s3+s2] =	stream.indirect_vreg.scatter [tilespmem:s12], [sflag:$0x2], $0x80, v4, vm0, $0xb8;
	[tilespmem:$0x10100] =	vst v63  }
0xa6: {  	v3 =	vperm.xlane v3, v2  }
0xa7: {  	[hbm4b:s4+s2] =	stream.indirect_vreg.scatter [tilespmem:s13], [sflag:$0x2], $0x80, v4, vm0, $0xb8;
	[tilespmem:$0x10100] =	vst v63  }
0xa8: {  	v3 =	vadd.s32 v1, v3  }
0xa9: {  	[hbm4b:s5+s2] =	stream.indirect_vreg.scatter [tilespmem:s14], [sflag:$0x2], $0x80, v4, vm0, $0xb8;
	[tilespmem:$0x10100] =	vst v63  }
0xaa: {  	_ = 	snop  }
0xab: {  	[hbm4b:s6+s2] =	stream.indirect_vreg.scatter [tilespmem:s15], [sflag:$0x2], $0x80, v4, vm0, $0xb8;
	[tilespmem:$0x10100] =	vst v63  }
0xac: {  	_ = 	snop  }
0xad: {  	[hbm4b:s3+s2] =	stream.indirect_vreg.scatter [tilespmem:s16], [sflag:$0x2], $0x80, v3, vm0, $0xb8;
	[tilespmem:$0x10100] =	vst v63  }
0xae: {  	_ = 	snop  }
0xaf: {  	[hbm4b:s4+s2] =	stream.indirect_vreg.scatter [tilespmem:s17], [sflag:$0x2], $0x80, v3, vm0, $0xb8;
	[tilespmem:$0x10100] =	vst v63  }
0xb0: {  	_ = 	snop  }
0xb1: {  	[hbm4b:s5+s2] =	stream.indirect_vreg.scatter [tilespmem:s9], [sflag:$0x2], $0x80, v3, vm0, $0xb8;
	[tilespmem:$0x10100] =	vst v63  }
0xb2: {  	_ = 	snop  }
0xb3: {  	[hbm4b:s6+s2] =	stream.indirect_vreg.scatter [tilespmem:s19], [sflag:$0x2], $0x80, v3, vm0, $0xb8;
	[tilespmem:$0x10100] =	vst v63  }
0xb4: {  	v3 =	vld [tilespmem:$0xB0];
	_ =	sdelay $0x4  }
0xb5: {  	v63 =	vshll.u32 v3, $0x3  }
0xb6: {  	v3 =	vand.u32 $0x7, v3;
	v4 =	vand.u32 $0xFFFFFFC0, v63  }
0xb7: {  	v3 =	vor.u32 v3, v4  }
0xb8: {  	v4 =	vperm.xlane v3, v0;
	_ =	sdelay $0x1  }
0xb9: {  	v4 =	vadd.s32 v1, v4;
	_ =	sdelay $0x3  }
0xba: {  	s21 =	simm.s32 $0xC100  }
0xbb: {  	[hbm4b:s3+s2] =	stream.indirect_vreg.scatter [tilespmem:s21], [sflag:$0x2], $0x80, v4, vm0, $0xb8;
	[tilespmem:$0x10100] =	vst v63  }
0xbc: {  	s20 =	simm.s32 $0xC900;
	v3 =	vperm.xlane v3, v2  }
0xbd: {  	[hbm4b:s4+s2] =	stream.indirect_vreg.scatter [tilespmem:s20], [sflag:$0x2], $0x80, v4, vm0, $0xb8;
	[tilespmem:$0x10100] =	vst v63  }
0xbe: {  	v3 =	vadd.s32 v1, v3;
	s21 =	simm.s32 $0xD100  }
0xbf: {  	[hbm4b:s5+s2] =	stream.indirect_vreg.scatter [tilespmem:s21], [sflag:$0x2], $0x80, v4, vm0, $0xb8;
	[tilespmem:$0x10100] =	vst v63  }
0xc0: {  	s20 =	simm.s32 $0xD900  }
0xc1: {  	[hbm4b:s6+s2] =	stream.indirect_vreg.scatter [tilespmem:s20], [sflag:$0x2], $0x80, v4, vm0, $0xb8;
	[tilespmem:$0x10100] =	vst v63  }
0xc2: {  	s21 =	simm.s32 $0xE100  }
0xc3: {  	[hbm4b:s3+s2] =	stream.indirect_vreg.scatter [tilespmem:s21], [sflag:$0x2], $0x80, v3, vm0, $0xb8;
	[tilespmem:$0x10100] =	vst v63  }
0xc4: {  	s20 =	simm.s32 $0xE900  }
0xc5: {  	[hbm4b:s4+s2] =	stream.indirect_vreg.scatter [tilespmem:s20], [sflag:$0x2], $0x80, v3, vm0, $0xb8;
	[tilespmem:$0x10100] =	vst v63  }
0xc6: {  	s21 =	simm.s32 $0xF100  }
0xc7: {  	[hbm4b:s5+s2] =	stream.indirect_vreg.scatter [tilespmem:s21], [sflag:$0x2], $0x80, v3, vm0, $0xb8;
	[tilespmem:$0x10100] =	vst v63  }
0xc8: {  	s20 =	simm.s32 $0x1  }
0xc9: {  	[hbm4b:s6+s2] =	stream.indirect_vreg.scatter [tilespmem:s0], [sflag:$0x2], $0x80, v3, vm0, $0xb8;
	[tilespmem:$0x10100] =	vst v63  }
0xca: {  	p0 =	sne.s32 s7, $0x1;
	_ =	swait.ge [sflag:s20], $0x10000  }
.Ltmp0:
0xcb: {  	[sflag:s20] =	ssyncset.done $0x0;
	(pc) =	sbr.rel @p0 .LBB2_1-.Ltmp0, $4  }
0xcc: {  	s21 =	simm.s32 $0x2;
	[sflag:s20] =	ssyncadd.s32 $0xFFFF0000  }
0xcd: {  	_ =	swait.ge [sflag:s21], $0x10000  }
0xce: {  	[sflag:s21] =	ssyncset.done $0x0  }
0xcf: {  	s7 =	sadd.s32 $0xFFFFFFFF, s7;
	[sflag:s21] =	ssyncadd.s32 $0xFFFF0000  }
0xd0: {  	_ =	sfence.sel $0x180000  }
0xd1: {  	[bflag:$0x0] =	sbarrier.arrive $0xFFFF  }
0xd2: {  	_ =	strace $0x90000047  }
0xd3: {  	s0 =	stileid.u32;
	[bflag:$0x2] =	sbarrier.arrive $0xFFFF  }
0xd4: {  	p0 =	sne.s32 s0, $0x0;
	s0 =	rddreg [dreg:$0x2]  }
0xd5: {  	s0 =	sadd.s32 @!p0 $0x100000, s0  }
0xd6: {  	[sflag:s0] =	ssyncadd.tile.s32 @!p0 $0x1;
	_ =	shalt  }
.Lfunc_end2:
_tile_overlayer_lowered:
.L_overlay_start_2:
0xd7: {  	(tag) =	ssettag $0x2  }
0xd8: {  	s0 =	rddreg [dreg:$0x0];
	s2 =	stileid.u32  }
0xd9: {  	s1 =	rddreg [dreg:$0x1];
	p0 =	sne.s32 s2, $0x0  }
0xda: {  	s3 =	rddreg [dreg:$0x2];
	[bflag:$0x3] =	sbarrier.arrive $0xFFFF;
	s2 =	simm.s32 @!p0 $0x1C03  }
0xdb: {  	[timem:s3], [sflag:s2] =	dma.local @!p0 [hbm:s0], s1  }
0xdc: {  	s0 =	simm.s32 @!p0 $0x3  }
0xdd: {  	_ =	swait.ge @!p0 [sflag:s0], s1  }
0xde: {  	s1 =	ssub.s32 @!p0 $0x0, s1;
	[sflag:s0] =	ssyncset.done @!p0 $0x0  }
0xdf: {  	[sflag:s0] =	ssyncadd.s32 @!p0 s1  }
0xe0: {  	[bflag:$0x3] =	sbarrier.arrive $0xFFFF  }
0xe1: {  	_ =	shalt  }

</sc_bundles>
